<compile_context>
chip_gen: v7x
topology: tpu7x:2x2x1
jax: 0.10.2.dev20260603
libtpu: 0.0.44.dev20260713+nightly
codegen_flags: <defaults>
</compile_context>

<pallas_src>
import functools

import jax
import jax.numpy as jnp
from jax import lax
from jax.experimental import pallas as pl
from jax.experimental.pallas import tpu as pltpu
from jax.experimental.pallas import tpu_sc as plsc

VOCAB = 100000
D = 32
CTX = 20
BATCH = 1024

NC = 2
NS = 16
NW = NC * NS
NIDX = CTX * BATCH
ICH = 4096
NCHUNK = NIDX // ICH

_mesh = plsc.VectorSubcoreMesh(core_axis_name="c", subcore_axis_name="s")


@functools.partial(
    pl.kernel,
    mesh=_mesh,
    out_type=jax.ShapeDtypeStruct((D, BATCH), jnp.float32),
    scratch_types=[
        pltpu.VMEM((NCHUNK, ICH), jnp.int32),
        pltpu.VMEM((NIDX,), jnp.float32),
        pltpu.VMEM((BATCH,), jnp.float32),
        pltpu.SemaphoreType.DMA,
    ],
    compiler_params=pltpu.CompilerParams(use_tc_tiling_on_sc=False),
)
def _gather_sum(idx_hbm, tablet_hbm, out_hbm, idx_v, vals_v, acc_v, sem):
    wid = lax.axis_index("s") * NC + lax.axis_index("c")
    pltpu.sync_copy(idx_hbm, idx_v)
    row = tablet_hbm.at[wid]

    copies = [
        pltpu.async_copy(
            row.at[idx_v.at[j]],
            vals_v.at[pl.ds(j * ICH, ICH)],
            sem,
        )
        for j in range(NCHUNK)
    ]
    for c in copies:
        c.wait()

    def rbody(g, carry):
        o = g * 16
        acc = vals_v[pl.ds(o, 16)]
        for c in range(1, CTX):
            acc = acc + vals_v[pl.ds(c * BATCH + o, 16)]
        acc_v[pl.ds(o, 16)] = acc
        return carry

    lax.fori_loop(0, BATCH // 16, rbody, 0)
    pltpu.sync_copy(acc_v, out_hbm.at[wid])


VT = 2048
GRID = (VOCAB + VT - 1) // VT
NSPLIT = 4
CH = VT // NSPLIT
TAIL = VOCAB - (GRID - 1) * VT
TFULL = TAIL // CH
TREM = TAIL - TFULL * CH


def _proj_body(wt_ref, es_ref, b_ref, out_hbm, obuf, sem_o):
    i = pl.program_id(0)
    n = pl.num_programs(0)
    slot = lax.rem(i, 2)

    def chunk_copy(step, k, rows):
        s = lax.rem(step, 2)
        base = pl.multiple_of(step * VT, VT) + k * CH
        return pltpu.make_async_copy(
            obuf.at[s, pl.ds(k * CH, rows)],
            out_hbm.at[pl.ds(base, rows)],
            sem_o.at[s, k],
        )

    def start_out(step, last):
        nfull = TFULL if last else NSPLIT
        for k in range(nfull):
            chunk_copy(step, k, CH).start()
        if last:
            chunk_copy(step, TFULL, TREM).start()

    def drain_out(step, last):
        nfull = TFULL if last else NSPLIT
        for k in range(nfull):
            chunk_copy(step, k, CH).wait()
        if last:
            chunk_copy(step, TFULL, TREM).wait()

    @pl.when(i >= 2)
    def _():
        drain_out(i - 2, False)

    obuf[slot] = (
        lax.dot_general(
            wt_ref[...],
            es_ref[...],
            (((0,), (0,)), ((), ())),
            preferred_element_type=jnp.float32,
        )
        + b_ref[...][:, None]
    )

    @pl.when(i < n - 1)
    def _():
        start_out(i, False)

    @pl.when(i == n - 1)
    def _():
        start_out(i, True)
        drain_out(i - 1, False)
        drain_out(i, True)


def kernel(context_words, emb_table, W, b):
    idx = jnp.asarray(context_words, jnp.int32).reshape(NCHUNK, ICH)
    es_t = _gather_sum(idx, emb_table.T)

    out_t = pl.pallas_call(
        _proj_body,
        grid=(GRID,),
        in_specs=[
            pl.BlockSpec((D, VT), lambda i: (0, i)),
            pl.BlockSpec((D, BATCH), lambda i: (0, 0)),
            pl.BlockSpec((VT,), lambda i: (i,)),
        ],
        out_specs=pl.BlockSpec(memory_space=pl.ANY),
        out_shape=jax.ShapeDtypeStruct((VOCAB, BATCH), jnp.float32),
        scratch_shapes=[
            pltpu.VMEM((2, VT, BATCH), jnp.float32),
            pltpu.SemaphoreType.DMA((2, NSPLIT)),
        ],
    )(W.T, es_t, b)
    return out_t.T

# --- scband reference (transcript-rebuilt; emitter-appended) ---
"""Pipeline reference for scband-cbow-8272107012751 (READ-ONLY COPY).

The authoritative reference and input builder live on the scoring server;
editing this copy changes nothing except your own understanding.
"""

import jax, jax.numpy as jnp
import numpy as np

VOCAB = 100000
EMBED_DIM = 32
CTX = 20
BATCH = 1024

def setup_inputs(seed: int = 0) -> dict:
    key = jax.random.key(seed)
    k1, k2, k3, k4 = jax.random.split(key, 4)
    context_words = jax.random.randint(k1, (CTX, BATCH), 0, VOCAB, dtype=jnp.int64) if jax.config.jax_enable_x64 else jax.random.randint(k1, (CTX, BATCH), 0, VOCAB, dtype=jnp.int32)
    emb_table = jax.random.normal(k2, (VOCAB, EMBED_DIM), dtype=jnp.float32)
    W = jax.random.normal(k3, (VOCAB, EMBED_DIM), dtype=jnp.float32) * 0.02
    b = jnp.zeros((VOCAB,), dtype=jnp.float32)
    return {"context_words": context_words, "emb_table": emb_table, "W": W, "b": b}

def reference(context_words, emb_table, W, b):
    # emb = self.embeddings(context_words) -> [CTX, BATCH, EMBED_DIM]
    emb = jnp.take(emb_table, context_words, axis=0)
    # emb_sum = torch.sum(emb, dim=0) -> [BATCH, EMBED_DIM]
    emb_sum = jnp.sum(emb, axis=0)
    # out = self.linear(emb_sum) -> [BATCH, VOCAB]
    out = emb_sum @ W.T + b
    return out

if __name__ == "__main__":
    import jax
    _d = setup_inputs()
    print(jax.jit(kernel)(*tuple(_d.values())))

</pallas_src>

<mosaic_0001>
#map = affine_map<(d0, d1) -> (0, 0)>
module attributes {stable_mosaic.version = 14 : i64} {
  func.func @_gather_sum(%arg0: i32, %arg1: i32, %arg2: memref<5x4096xi32, #tpu.memory_space<hbm>>, %arg3: memref<32x100000xf32, #tpu.memory_space<hbm>>, %arg4: memref<32x1024xf32, #tpu.memory_space<hbm>>, %arg5: memref<5x4096xi32, #tpu.memory_space<vmem>>, %arg6: memref<20480xf32, #tpu.memory_space<vmem>>, %arg7: memref<1024xf32, #tpu.memory_space<vmem>>, %arg8: memref<!tpu.dma_semaphore, #tpu.memory_space<semaphore_mem>>) attributes {dimension_semantics = [#tpu.dimension_semantics<core_parallel>, #tpu.dimension_semantics<subcore_parallel>], iteration_bounds = array<i64: 2, 16>, scalar_prefetch = 0 : i64, scratch_operands = 4 : i64, tpu.core_type = #tpu.core_type<sc_vector_subcore>, window_params = [{transform_indices = #map}, {transform_indices = #map}, {transform_indices = #map}]} {
    %mul3A = arith.constant 2 : i32
    %mul3A_0 = arith.muli %arg1, %mul3A : i32
    %add3A = arith.addi %mul3A_0, %arg0 : i32
    "tpu.region"() ({
      %run_scoped3A = tpu.sem_alloc : memref<!tpu.dma_semaphore, #tpu.memory_space<semaphore_mem>>
      tpu.enqueue_dma source(%arg2 : memref<5x4096xi32, #tpu.memory_space<hbm>>) target(%arg5 : memref<5x4096xi32, #tpu.memory_space<vmem>>) target_semaphore(%run_scoped3A : memref<!tpu.dma_semaphore, #tpu.memory_space<semaphore_mem>>)
      tpu.wait_dma2 semaphore(%run_scoped3A : memref<!tpu.dma_semaphore, #tpu.memory_space<semaphore_mem>>) src(%arg2 : memref<5x4096xi32, #tpu.memory_space<hbm>>) dst(%arg5 : memref<5x4096xi32, #tpu.memory_space<vmem>>)
      tpu.yield
    }) : () -> ()
    %dma_start3A = arith.constant 0 : i32
    %dma_start3A_1 = arith.constant 0 : i32
    %dma_start3A_2 = tpu.memref_slice %arg6[%dma_start3A_1] : memref<20480xf32, #tpu.memory_space<vmem>> -> memref<4096xf32, #tpu.memory_space<vmem>>
    %dma_start3A_3 = arith.constant 0 : i32
    %dma_start3A_4 = tpu.memref_slice %arg5[%dma_start3A, %dma_start3A_3] : memref<5x4096xi32, #tpu.memory_space<vmem>> -> memref<1x4096xi32, #tpu.memory_space<vmem>>
    %dma_start3A_5 = tpu.memref_squeeze %dma_start3A_4 : memref<1x4096xi32, #tpu.memory_space<vmem>> -> memref<4096xi32, #tpu.memory_space<vmem>>
    %dma_start3A_6 = arith.constant 0 : i32
    %dma_start3A_7 = tpu.memref_slice %arg3[%add3A, %dma_start3A_6] : memref<32x100000xf32, #tpu.memory_space<hbm>> -> memref<1x100000xf32, #tpu.memory_space<hbm>>
    %dma_start3A_8 = tpu.memref_squeeze %dma_start3A_7 : memref<1x100000xf32, #tpu.memory_space<hbm>> -> memref<100000xf32, #tpu.memory_space<hbm>>
    %dma_start3A_9 = arith.constant 0 : i32
    %dma_start3A_10 = tpu.memref_slice %dma_start3A_8[%dma_start3A_9] : memref<100000xf32, #tpu.memory_space<hbm>> -> memref<100000xf32, #tpu.memory_space<hbm>>
    tpu.enqueue_indirect_dma source(%dma_start3A_10 : memref<100000xf32, #tpu.memory_space<hbm>>) target(%dma_start3A_2 : memref<4096xf32, #tpu.memory_space<vmem>>) offsets(%dma_start3A_5 : memref<4096xi32, #tpu.memory_space<vmem>>) semaphore(%arg8 : memref<!tpu.dma_semaphore, #tpu.memory_space<semaphore_mem>>)
    %dma_start3A_11 = arith.constant 1 : i32
    %dma_start3A_12 = arith.constant 4096 : i32
    %dma_start3A_13 = tpu.memref_slice %arg6[%dma_start3A_12] : memref<20480xf32, #tpu.memory_space<vmem>> -> memref<4096xf32, #tpu.memory_space<vmem>>
    %dma_start3A_14 = arith.constant 0 : i32
    %dma_start3A_15 = tpu.memref_slice %arg5[%dma_start3A_11, %dma_start3A_14] : memref<5x4096xi32, #tpu.memory_space<vmem>> -> memref<1x4096xi32, #tpu.memory_space<vmem>>
    %dma_start3A_16 = tpu.memref_squeeze %dma_start3A_15 : memref<1x4096xi32, #tpu.memory_space<vmem>> -> memref<4096xi32, #tpu.memory_space<vmem>>
    %dma_start3A_17 = arith.constant 0 : i32
    %dma_start3A_18 = tpu.memref_slice %arg3[%add3A, %dma_start3A_17] : memref<32x100000xf32, #tpu.memory_space<hbm>> -> memref<1x100000xf32, #tpu.memory_space<hbm>>
    %dma_start3A_19 = tpu.memref_squeeze %dma_start3A_18 : memref<1x100000xf32, #tpu.memory_space<hbm>> -> memref<100000xf32, #tpu.memory_space<hbm>>
    %dma_start3A_20 = arith.constant 0 : i32
    %dma_start3A_21 = tpu.memref_slice %dma_start3A_19[%dma_start3A_20] : memref<100000xf32, #tpu.memory_space<hbm>> -> memref<100000xf32, #tpu.memory_space<hbm>>
    tpu.enqueue_indirect_dma source(%dma_start3A_21 : memref<100000xf32, #tpu.memory_space<hbm>>) target(%dma_start3A_13 : memref<4096xf32, #tpu.memory_space<vmem>>) offsets(%dma_start3A_16 : memref<4096xi32, #tpu.memory_space<vmem>>) semaphore(%arg8 : memref<!tpu.dma_semaphore, #tpu.memory_space<semaphore_mem>>)
    %dma_start3A_22 = arith.constant 2 : i32
    %dma_start3A_23 = arith.constant 8192 : i32
    %dma_start3A_24 = tpu.memref_slice %arg6[%dma_start3A_23] : memref<20480xf32, #tpu.memory_space<vmem>> -> memref<4096xf32, #tpu.memory_space<vmem>>
    %dma_start3A_25 = arith.constant 0 : i32
    %dma_start3A_26 = tpu.memref_slice %arg5[%dma_start3A_22, %dma_start3A_25] : memref<5x4096xi32, #tpu.memory_space<vmem>> -> memref<1x4096xi32, #tpu.memory_space<vmem>>
    %dma_start3A_27 = tpu.memref_squeeze %dma_start3A_26 : memref<1x4096xi32, #tpu.memory_space<vmem>> -> memref<4096xi32, #tpu.memory_space<vmem>>
    %dma_start3A_28 = arith.constant 0 : i32
    %dma_start3A_29 = tpu.memref_slice %arg3[%add3A, %dma_start3A_28] : memref<32x100000xf32, #tpu.memory_space<hbm>> -> memref<1x100000xf32, #tpu.memory_space<hbm>>
    %dma_start3A_30 = tpu.memref_squeeze %dma_start3A_29 : memref<1x100000xf32, #tpu.memory_space<hbm>> -> memref<100000xf32, #tpu.memory_space<hbm>>
    %dma_start3A_31 = arith.constant 0 : i32
    %dma_start3A_32 = tpu.memref_slice %dma_start3A_30[%dma_start3A_31] : memref<100000xf32, #tpu.memory_space<hbm>> -> memref<100000xf32, #tpu.memory_space<hbm>>
    tpu.enqueue_indirect_dma source(%dma_start3A_32 : memref<100000xf32, #tpu.memory_space<hbm>>) target(%dma_start3A_24 : memref<4096xf32, #tpu.memory_space<vmem>>) offsets(%dma_start3A_27 : memref<4096xi32, #tpu.memory_space<vmem>>) semaphore(%arg8 : memref<!tpu.dma_semaphore, #tpu.memory_space<semaphore_mem>>)
    %dma_start3A_33 = arith.constant 3 : i32
    %dma_start3A_34 = arith.constant 12288 : i32
    %dma_start3A_35 = tpu.memref_slice %arg6[%dma_start3A_34] : memref<20480xf32, #tpu.memory_space<vmem>> -> memref<4096xf32, #tpu.memory_space<vmem>>
    %dma_start3A_36 = arith.constant 0 : i32
    %dma_start3A_37 = tpu.memref_slice %arg5[%dma_start3A_33, %dma_start3A_36] : memref<5x4096xi32, #tpu.memory_space<vmem>> -> memref<1x4096xi32, #tpu.memory_space<vmem>>
    %dma_start3A_38 = tpu.memref_squeeze %dma_start3A_37 : memref<1x4096xi32, #tpu.memory_space<vmem>> -> memref<4096xi32, #tpu.memory_space<vmem>>
    %dma_start3A_39 = arith.constant 0 : i32
    %dma_start3A_40 = tpu.memref_slice %arg3[%add3A, %dma_start3A_39] : memref<32x100000xf32, #tpu.memory_space<hbm>> -> memref<1x100000xf32, #tpu.memory_space<hbm>>
    %dma_start3A_41 = tpu.memref_squeeze %dma_start3A_40 : memref<1x100000xf32, #tpu.memory_space<hbm>> -> memref<100000xf32, #tpu.memory_space<hbm>>
    %dma_start3A_42 = arith.constant 0 : i32
    %dma_start3A_43 = tpu.memref_slice %dma_start3A_41[%dma_start3A_42] : memref<100000xf32, #tpu.memory_space<hbm>> -> memref<100000xf32, #tpu.memory_space<hbm>>
    tpu.enqueue_indirect_dma source(%dma_start3A_43 : memref<100000xf32, #tpu.memory_space<hbm>>) target(%dma_start3A_35 : memref<4096xf32, #tpu.memory_space<vmem>>) offsets(%dma_start3A_38 : memref<4096xi32, #tpu.memory_space<vmem>>) semaphore(%arg8 : memref<!tpu.dma_semaphore, #tpu.memory_space<semaphore_mem>>)
    %dma_start3A_44 = arith.constant 4 : i32
    %dma_start3A_45 = arith.constant 16384 : i32
    %dma_start3A_46 = tpu.memref_slice %arg6[%dma_start3A_45] : memref<20480xf32, #tpu.memory_space<vmem>> -> memref<4096xf32, #tpu.memory_space<vmem>>
    %dma_start3A_47 = arith.constant 0 : i32
    %dma_start3A_48 = tpu.memref_slice %arg5[%dma_start3A_44, %dma_start3A_47] : memref<5x4096xi32, #tpu.memory_space<vmem>> -> memref<1x4096xi32, #tpu.memory_space<vmem>>
    %dma_start3A_49 = tpu.memref_squeeze %dma_start3A_48 : memref<1x4096xi32, #tpu.memory_space<vmem>> -> memref<4096xi32, #tpu.memory_space<vmem>>
    %dma_start3A_50 = arith.constant 0 : i32
    %dma_start3A_51 = tpu.memref_slice %arg3[%add3A, %dma_start3A_50] : memref<32x100000xf32, #tpu.memory_space<hbm>> -> memref<1x100000xf32, #tpu.memory_space<hbm>>
    %dma_start3A_52 = tpu.memref_squeeze %dma_start3A_51 : memref<1x100000xf32, #tpu.memory_space<hbm>> -> memref<100000xf32, #tpu.memory_space<hbm>>
    %dma_start3A_53 = arith.constant 0 : i32
    %dma_start3A_54 = tpu.memref_slice %dma_start3A_52[%dma_start3A_53] : memref<100000xf32, #tpu.memory_space<hbm>> -> memref<100000xf32, #tpu.memory_space<hbm>>
    tpu.enqueue_indirect_dma source(%dma_start3A_54 : memref<100000xf32, #tpu.memory_space<hbm>>) target(%dma_start3A_46 : memref<4096xf32, #tpu.memory_space<vmem>>) offsets(%dma_start3A_49 : memref<4096xi32, #tpu.memory_space<vmem>>) semaphore(%arg8 : memref<!tpu.dma_semaphore, #tpu.memory_space<semaphore_mem>>)
    %dma_wait3A = arith.constant 0 : i32
    %dma_wait3A_55 = arith.constant 0 : i32
    %dma_wait3A_56 = tpu.memref_slice %arg6[%dma_wait3A_55] : memref<20480xf32, #tpu.memory_space<vmem>> -> memref<4096xf32, #tpu.memory_space<vmem>>
    %dma_wait3A_57 = arith.constant 0 : i32
    %dma_wait3A_58 = tpu.memref_slice %arg5[%dma_wait3A, %dma_wait3A_57] : memref<5x4096xi32, #tpu.memory_space<vmem>> -> memref<1x4096xi32, #tpu.memory_space<vmem>>
    %dma_wait3A_59 = tpu.memref_squeeze %dma_wait3A_58 : memref<1x4096xi32, #tpu.memory_space<vmem>> -> memref<4096xi32, #tpu.memory_space<vmem>>
    %dma_wait3A_60 = arith.constant 0 : i32
    %dma_wait3A_61 = tpu.memref_slice %arg3[%add3A, %dma_wait3A_60] : memref<32x100000xf32, #tpu.memory_space<hbm>> -> memref<1x100000xf32, #tpu.memory_space<hbm>>
    %dma_wait3A_62 = tpu.memref_squeeze %dma_wait3A_61 : memref<1x100000xf32, #tpu.memory_space<hbm>> -> memref<100000xf32, #tpu.memory_space<hbm>>
    %dma_wait3A_63 = arith.constant 0 : i32
    %dma_wait3A_64 = tpu.memref_slice %dma_wait3A_62[%dma_wait3A_63] : memref<100000xf32, #tpu.memory_space<hbm>> -> memref<100000xf32, #tpu.memory_space<hbm>>
    tpu.wait_indirect_dma semaphore(%arg8 : memref<!tpu.dma_semaphore, #tpu.memory_space<semaphore_mem>>) src(%dma_wait3A_64 : memref<100000xf32, #tpu.memory_space<hbm>>) dst(%dma_wait3A_56 : memref<4096xf32, #tpu.memory_space<vmem>>)
    %dma_wait3A_65 = arith.constant 1 : i32
    %dma_wait3A_66 = arith.constant 4096 : i32
    %dma_wait3A_67 = tpu.memref_slice %arg6[%dma_wait3A_66] : memref<20480xf32, #tpu.memory_space<vmem>> -> memref<4096xf32, #tpu.memory_space<vmem>>
    %dma_wait3A_68 = arith.constant 0 : i32
    %dma_wait3A_69 = tpu.memref_slice %arg5[%dma_wait3A_65, %dma_wait3A_68] : memref<5x4096xi32, #tpu.memory_space<vmem>> -> memref<1x4096xi32, #tpu.memory_space<vmem>>
    %dma_wait3A_70 = tpu.memref_squeeze %dma_wait3A_69 : memref<1x4096xi32, #tpu.memory_space<vmem>> -> memref<4096xi32, #tpu.memory_space<vmem>>
    %dma_wait3A_71 = arith.constant 0 : i32
    %dma_wait3A_72 = tpu.memref_slice %arg3[%add3A, %dma_wait3A_71] : memref<32x100000xf32, #tpu.memory_space<hbm>> -> memref<1x100000xf32, #tpu.memory_space<hbm>>
    %dma_wait3A_73 = tpu.memref_squeeze %dma_wait3A_72 : memref<1x100000xf32, #tpu.memory_space<hbm>> -> memref<100000xf32, #tpu.memory_space<hbm>>
    %dma_wait3A_74 = arith.constant 0 : i32
    %dma_wait3A_75 = tpu.memref_slice %dma_wait3A_73[%dma_wait3A_74] : memref<100000xf32, #tpu.memory_space<hbm>> -> memref<100000xf32, #tpu.memory_space<hbm>>
    tpu.wait_indirect_dma semaphore(%arg8 : memref<!tpu.dma_semaphore, #tpu.memory_space<semaphore_mem>>) src(%dma_wait3A_75 : memref<100000xf32, #tpu.memory_space<hbm>>) dst(%dma_wait3A_67 : memref<4096xf32, #tpu.memory_space<vmem>>)
    %dma_wait3A_76 = arith.constant 2 : i32
    %dma_wait3A_77 = arith.constant 8192 : i32
    %dma_wait3A_78 = tpu.memref_slice %arg6[%dma_wait3A_77] : memref<20480xf32, #tpu.memory_space<vmem>> -> memref<4096xf32, #tpu.memory_space<vmem>>
    %dma_wait3A_79 = arith.constant 0 : i32
    %dma_wait3A_80 = tpu.memref_slice %arg5[%dma_wait3A_76, %dma_wait3A_79] : memref<5x4096xi32, #tpu.memory_space<vmem>> -> memref<1x4096xi32, #tpu.memory_space<vmem>>
    %dma_wait3A_81 = tpu.memref_squeeze %dma_wait3A_80 : memref<1x4096xi32, #tpu.memory_space<vmem>> -> memref<4096xi32, #tpu.memory_space<vmem>>
    %dma_wait3A_82 = arith.constant 0 : i32
    %dma_wait3A_83 = tpu.memref_slice %arg3[%add3A, %dma_wait3A_82] : memref<32x100000xf32, #tpu.memory_space<hbm>> -> memref<1x100000xf32, #tpu.memory_space<hbm>>
    %dma_wait3A_84 = tpu.memref_squeeze %dma_wait3A_83 : memref<1x100000xf32, #tpu.memory_space<hbm>> -> memref<100000xf32, #tpu.memory_space<hbm>>
    %dma_wait3A_85 = arith.constant 0 : i32
    %dma_wait3A_86 = tpu.memref_slice %dma_wait3A_84[%dma_wait3A_85] : memref<100000xf32, #tpu.memory_space<hbm>> -> memref<100000xf32, #tpu.memory_space<hbm>>
    tpu.wait_indirect_dma semaphore(%arg8 : memref<!tpu.dma_semaphore, #tpu.memory_space<semaphore_mem>>) src(%dma_wait3A_86 : memref<100000xf32, #tpu.memory_space<hbm>>) dst(%dma_wait3A_78 : memref<4096xf32, #tpu.memory_space<vmem>>)
    %dma_wait3A_87 = arith.constant 3 : i32
    %dma_wait3A_88 = arith.constant 12288 : i32
    %dma_wait3A_89 = tpu.memref_slice %arg6[%dma_wait3A_88] : memref<20480xf32, #tpu.memory_space<vmem>> -> memref<4096xf32, #tpu.memory_space<vmem>>
    %dma_wait3A_90 = arith.constant 0 : i32
    %dma_wait3A_91 = tpu.memref_slice %arg5[%dma_wait3A_87, %dma_wait3A_90] : memref<5x4096xi32, #tpu.memory_space<vmem>> -> memref<1x4096xi32, #tpu.memory_space<vmem>>
    %dma_wait3A_92 = tpu.memref_squeeze %dma_wait3A_91 : memref<1x4096xi32, #tpu.memory_space<vmem>> -> memref<4096xi32, #tpu.memory_space<vmem>>
    %dma_wait3A_93 = arith.constant 0 : i32
    %dma_wait3A_94 = tpu.memref_slice %arg3[%add3A, %dma_wait3A_93] : memref<32x100000xf32, #tpu.memory_space<hbm>> -> memref<1x100000xf32, #tpu.memory_space<hbm>>
    %dma_wait3A_95 = tpu.memref_squeeze %dma_wait3A_94 : memref<1x100000xf32, #tpu.memory_space<hbm>> -> memref<100000xf32, #tpu.memory_space<hbm>>
    %dma_wait3A_96 = arith.constant 0 : i32
    %dma_wait3A_97 = tpu.memref_slice %dma_wait3A_95[%dma_wait3A_96] : memref<100000xf32, #tpu.memory_space<hbm>> -> memref<100000xf32, #tpu.memory_space<hbm>>
    tpu.wait_indirect_dma semaphore(%arg8 : memref<!tpu.dma_semaphore, #tpu.memory_space<semaphore_mem>>) src(%dma_wait3A_97 : memref<100000xf32, #tpu.memory_space<hbm>>) dst(%dma_wait3A_89 : memref<4096xf32, #tpu.memory_space<vmem>>)
    %dma_wait3A_98 = arith.constant 4 : i32
    %dma_wait3A_99 = arith.constant 16384 : i32
    %dma_wait3A_100 = tpu.memref_slice %arg6[%dma_wait3A_99] : memref<20480xf32, #tpu.memory_space<vmem>> -> memref<4096xf32, #tpu.memory_space<vmem>>
    %dma_wait3A_101 = arith.constant 0 : i32
    %dma_wait3A_102 = tpu.memref_slice %arg5[%dma_wait3A_98, %dma_wait3A_101] : memref<5x4096xi32, #tpu.memory_space<vmem>> -> memref<1x4096xi32, #tpu.memory_space<vmem>>
    %dma_wait3A_103 = tpu.memref_squeeze %dma_wait3A_102 : memref<1x4096xi32, #tpu.memory_space<vmem>> -> memref<4096xi32, #tpu.memory_space<vmem>>
    %dma_wait3A_104 = arith.constant 0 : i32
    %dma_wait3A_105 = tpu.memref_slice %arg3[%add3A, %dma_wait3A_104] : memref<32x100000xf32, #tpu.memory_space<hbm>> -> memref<1x100000xf32, #tpu.memory_space<hbm>>
    %dma_wait3A_106 = tpu.memref_squeeze %dma_wait3A_105 : memref<1x100000xf32, #tpu.memory_space<hbm>> -> memref<100000xf32, #tpu.memory_space<hbm>>
    %dma_wait3A_107 = arith.constant 0 : i32
    %dma_wait3A_108 = tpu.memref_slice %dma_wait3A_106[%dma_wait3A_107] : memref<100000xf32, #tpu.memory_space<hbm>> -> memref<100000xf32, #tpu.memory_space<hbm>>
    tpu.wait_indirect_dma semaphore(%arg8 : memref<!tpu.dma_semaphore, #tpu.memory_space<semaphore_mem>>) src(%dma_wait3A_108 : memref<100000xf32, #tpu.memory_space<hbm>>) dst(%dma_wait3A_100 : memref<4096xf32, #tpu.memory_space<vmem>>)
    %scan3A = arith.constant 0 : i32
    %scan3A_109 = arith.constant 0 : i32
    %scan3A_110 = arith.constant 64 : i32
    %scan3A_111 = arith.addi %scan3A_109, %scan3A_110 : i32
    %scan3A_112 = arith.constant 1 : i32
    scf.for %scan3A_114 = %scan3A_109 to %scan3A_111 step %scan3A_112  : i32 {
      %mul3A_115 = arith.constant 16 : i32
      %mul3A_116 = arith.muli %scan3A_114, %mul3A_115 : i32
      %get3A = arith.index_cast %mul3A_116 : i32 to index
      %get3A_117 = tpu.vector_load %arg6[%get3A] {strides = array<i32>} : memref<20480xf32, #tpu.memory_space<vmem>>, vector<16xf32>,
      %get3A_118 = vector.shape_cast %get3A_117 : vector<16xf32> to vector<16xf32>
      %add3A_119 = arith.constant 1024 : i32
      %add3A_120 = arith.addi %add3A_119, %mul3A_116 : i32
      %get3A_121 = arith.index_cast %add3A_120 : i32 to index
      %get3A_122 = tpu.vector_load %arg6[%get3A_121] {strides = array<i32>} : memref<20480xf32, #tpu.memory_space<vmem>>, vector<16xf32>,
      %get3A_123 = vector.shape_cast %get3A_122 : vector<16xf32> to vector<16xf32>
      %add3A_124 = arith.addf %get3A_118, %get3A_123 : vector<16xf32>
      %add3A_125 = arith.constant 2048 : i32
      %add3A_126 = arith.addi %add3A_125, %mul3A_116 : i32
      %get3A_127 = arith.index_cast %add3A_126 : i32 to index
      %get3A_128 = tpu.vector_load %arg6[%get3A_127] {strides = array<i32>} : memref<20480xf32, #tpu.memory_space<vmem>>, vector<16xf32>,
      %get3A_129 = vector.shape_cast %get3A_128 : vector<16xf32> to vector<16xf32>
      %add3A_130 = arith.addf %add3A_124, %get3A_129 : vector<16xf32>
      %add3A_131 = arith.constant 3072 : i32
      %add3A_132 = arith.addi %add3A_131, %mul3A_116 : i32
      %get3A_133 = arith.index_cast %add3A_132 : i32 to index
      %get3A_134 = tpu.vector_load %arg6[%get3A_133] {strides = array<i32>} : memref<20480xf32, #tpu.memory_space<vmem>>, vector<16xf32>,
      %get3A_135 = vector.shape_cast %get3A_134 : vector<16xf32> to vector<16xf32>
      %add3A_136 = arith.addf %add3A_130, %get3A_135 : vector<16xf32>
      %add3A_137 = arith.constant 4096 : i32
      %add3A_138 = arith.addi %add3A_137, %mul3A_116 : i32
      %get3A_139 = arith.index_cast %add3A_138 : i32 to index
      %get3A_140 = tpu.vector_load %arg6[%get3A_139] {strides = array<i32>} : memref<20480xf32, #tpu.memory_space<vmem>>, vector<16xf32>,
      %get3A_141 = vector.shape_cast %get3A_140 : vector<16xf32> to vector<16xf32>
      %add3A_142 = arith.addf %add3A_136, %get3A_141 : vector<16xf32>
      %add3A_143 = arith.constant 5120 : i32
      %add3A_144 = arith.addi %add3A_143, %mul3A_116 : i32
      %get3A_145 = arith.index_cast %add3A_144 : i32 to index
      %get3A_146 = tpu.vector_load %arg6[%get3A_145] {strides = array<i32>} : memref<20480xf32, #tpu.memory_space<vmem>>, vector<16xf32>,
      %get3A_147 = vector.shape_cast %get3A_146 : vector<16xf32> to vector<16xf32>
      %add3A_148 = arith.addf %add3A_142, %get3A_147 : vector<16xf32>
      %add3A_149 = arith.constant 6144 : i32
      %add3A_150 = arith.addi %add3A_149, %mul3A_116 : i32
      %get3A_151 = arith.index_cast %add3A_150 : i32 to index
      %get3A_152 = tpu.vector_load %arg6[%get3A_151] {strides = array<i32>} : memref<20480xf32, #tpu.memory_space<vmem>>, vector<16xf32>,
      %get3A_153 = vector.shape_cast %get3A_152 : vector<16xf32> to vector<16xf32>
      %add3A_154 = arith.addf %add3A_148, %get3A_153 : vector<16xf32>
      %add3A_155 = arith.constant 7168 : i32
      %add3A_156 = arith.addi %add3A_155, %mul3A_116 : i32
      %get3A_157 = arith.index_cast %add3A_156 : i32 to index
      %get3A_158 = tpu.vector_load %arg6[%get3A_157] {strides = array<i32>} : memref<20480xf32, #tpu.memory_space<vmem>>, vector<16xf32>,
      %get3A_159 = vector.shape_cast %get3A_158 : vector<16xf32> to vector<16xf32>
      %add3A_160 = arith.addf %add3A_154, %get3A_159 : vector<16xf32>
      %add3A_161 = arith.constant 8192 : i32
      %add3A_162 = arith.addi %add3A_161, %mul3A_116 : i32
      %get3A_163 = arith.index_cast %add3A_162 : i32 to index
      %get3A_164 = tpu.vector_load %arg6[%get3A_163] {strides = array<i32>} : memref<20480xf32, #tpu.memory_space<vmem>>, vector<16xf32>,
      %get3A_165 = vector.shape_cast %get3A_164 : vector<16xf32> to vector<16xf32>
      %add3A_166 = arith.addf %add3A_160, %get3A_165 : vector<16xf32>
      %add3A_167 = arith.constant 9216 : i32
      %add3A_168 = arith.addi %add3A_167, %mul3A_116 : i32
      %get3A_169 = arith.index_cast %add3A_168 : i32 to index
      %get3A_170 = tpu.vector_load %arg6[%get3A_169] {strides = array<i32>} : memref<20480xf32, #tpu.memory_space<vmem>>, vector<16xf32>,
      %get3A_171 = vector.shape_cast %get3A_170 : vector<16xf32> to vector<16xf32>
      %add3A_172 = arith.addf %add3A_166, %get3A_171 : vector<16xf32>
      %add3A_173 = arith.constant 10240 : i32
      %add3A_174 = arith.addi %add3A_173, %mul3A_116 : i32
      %get3A_175 = arith.index_cast %add3A_174 : i32 to index
      %get3A_176 = tpu.vector_load %arg6[%get3A_175] {strides = array<i32>} : memref<20480xf32, #tpu.memory_space<vmem>>, vector<16xf32>,
      %get3A_177 = vector.shape_cast %get3A_176 : vector<16xf32> to vector<16xf32>
      %add3A_178 = arith.addf %add3A_172, %get3A_177 : vector<16xf32>
      %add3A_179 = arith.constant 11264 : i32
      %add3A_180 = arith.addi %add3A_179, %mul3A_116 : i32
      %get3A_181 = arith.index_cast %add3A_180 : i32 to index
      %get3A_182 = tpu.vector_load %arg6[%get3A_181] {strides = array<i32>} : memref<20480xf32, #tpu.memory_space<vmem>>, vector<16xf32>,
      %get3A_183 = vector.shape_cast %get3A_182 : vector<16xf32> to vector<16xf32>
      %add3A_184 = arith.addf %add3A_178, %get3A_183 : vector<16xf32>
      %add3A_185 = arith.constant 12288 : i32
      %add3A_186 = arith.addi %add3A_185, %mul3A_116 : i32
      %get3A_187 = arith.index_cast %add3A_186 : i32 to index
      %get3A_188 = tpu.vector_load %arg6[%get3A_187] {strides = array<i32>} : memref<20480xf32, #tpu.memory_space<vmem>>, vector<16xf32>,
      %get3A_189 = vector.shape_cast %get3A_188 : vector<16xf32> to vector<16xf32>
      %add3A_190 = arith.addf %add3A_184, %get3A_189 : vector<16xf32>
      %add3A_191 = arith.constant 13312 : i32
      %add3A_192 = arith.addi %add3A_191, %mul3A_116 : i32
      %get3A_193 = arith.index_cast %add3A_192 : i32 to index
      %get3A_194 = tpu.vector_load %arg6[%get3A_193] {strides = array<i32>} : memref<20480xf32, #tpu.memory_space<vmem>>, vector<16xf32>,
      %get3A_195 = vector.shape_cast %get3A_194 : vector<16xf32> to vector<16xf32>
      %add3A_196 = arith.addf %add3A_190, %get3A_195 : vector<16xf32>
      %add3A_197 = arith.constant 14336 : i32
      %add3A_198 = arith.addi %add3A_197, %mul3A_116 : i32
      %get3A_199 = arith.index_cast %add3A_198 : i32 to index
      %get3A_200 = tpu.vector_load %arg6[%get3A_199] {strides = array<i32>} : memref<20480xf32, #tpu.memory_space<vmem>>, vector<16xf32>,
      %get3A_201 = vector.shape_cast %get3A_200 : vector<16xf32> to vector<16xf32>
      %add3A_202 = arith.addf %add3A_196, %get3A_201 : vector<16xf32>
      %add3A_203 = arith.constant 15360 : i32
      %add3A_204 = arith.addi %add3A_203, %mul3A_116 : i32
      %get3A_205 = arith.index_cast %add3A_204 : i32 to index
      %get3A_206 = tpu.vector_load %arg6[%get3A_205] {strides = array<i32>} : memref<20480xf32, #tpu.memory_space<vmem>>, vector<16xf32>,
      %get3A_207 = vector.shape_cast %get3A_206 : vector<16xf32> to vector<16xf32>
      %add3A_208 = arith.addf %add3A_202, %get3A_207 : vector<16xf32>
      %add3A_209 = arith.constant 16384 : i32
      %add3A_210 = arith.addi %add3A_209, %mul3A_116 : i32
      %get3A_211 = arith.index_cast %add3A_210 : i32 to index
      %get3A_212 = tpu.vector_load %arg6[%get3A_211] {strides = array<i32>} : memref<20480xf32, #tpu.memory_space<vmem>>, vector<16xf32>,
      %get3A_213 = vector.shape_cast %get3A_212 : vector<16xf32> to vector<16xf32>
      %add3A_214 = arith.addf %add3A_208, %get3A_213 : vector<16xf32>
      %add3A_215 = arith.constant 17408 : i32
      %add3A_216 = arith.addi %add3A_215, %mul3A_116 : i32
      %get3A_217 = arith.index_cast %add3A_216 : i32 to index
      %get3A_218 = tpu.vector_load %arg6[%get3A_217] {strides = array<i32>} : memref<20480xf32, #tpu.memory_space<vmem>>, vector<16xf32>,
      %get3A_219 = vector.shape_cast %get3A_218 : vector<16xf32> to vector<16xf32>
      %add3A_220 = arith.addf %add3A_214, %get3A_219 : vector<16xf32>
      %add3A_221 = arith.constant 18432 : i32
      %add3A_222 = arith.addi %add3A_221, %mul3A_116 : i32
      %get3A_223 = arith.index_cast %add3A_222 : i32 to index
      %get3A_224 = tpu.vector_load %arg6[%get3A_223] {strides = array<i32>} : memref<20480xf32, #tpu.memory_space<vmem>>, vector<16xf32>,
      %get3A_225 = vector.shape_cast %get3A_224 : vector<16xf32> to vector<16xf32>
      %add3A_226 = arith.addf %add3A_220, %get3A_225 : vector<16xf32>
      %add3A_227 = arith.constant 19456 : i32
      %add3A_228 = arith.addi %add3A_227, %mul3A_116 : i32
      %get3A_229 = arith.index_cast %add3A_228 : i32 to index
      %get3A_230 = tpu.vector_load %arg6[%get3A_229] {strides = array<i32>} : memref<20480xf32, #tpu.memory_space<vmem>>, vector<16xf32>,
      %get3A_231 = vector.shape_cast %get3A_230 : vector<16xf32> to vector<16xf32>
      %add3A_232 = arith.addf %add3A_226, %get3A_231 : vector<16xf32>
      %swap3A = arith.index_cast %mul3A_116 : i32 to index
      %swap3A_233 = tpu.vector_load %arg7[%swap3A] {strides = array<i32>} : memref<1024xf32, #tpu.memory_space<vmem>>, vector<16xf32>,
      %swap3A_234 = vector.shape_cast %swap3A_233 : vector<16xf32> to vector<16xf32>
      %swap3A_235 = vector.shape_cast %add3A_232 : vector<16xf32> to vector<16xf32>
      tpu.vector_store %arg7[%swap3A], %swap3A_235 {strides = array<i32>} : memref<1024xf32, #tpu.memory_space<vmem>>, vector<16xf32>,
    }
    %scan3A_113 = arith.constant 64 : i32
    "tpu.region"() ({
      %run_scoped3A = tpu.sem_alloc : memref<!tpu.dma_semaphore, #tpu.memory_space<semaphore_mem>>
      %dma_start3A_114 = arith.constant 0 : i32
      %dma_start3A_115 = tpu.memref_slice %arg4[%add3A, %dma_start3A_114] : memref<32x1024xf32, #tpu.memory_space<hbm>> -> memref<1x1024xf32, #tpu.memory_space<hbm>>
      %dma_start3A_116 = tpu.memref_squeeze %dma_start3A_115 : memref<1x1024xf32, #tpu.memory_space<hbm>> -> memref<1024xf32, #tpu.memory_space<hbm>>
      %dma_start3A_117 = arith.constant 0 : i32
      %dma_start3A_118 = tpu.memref_slice %arg4[%add3A, %dma_start3A_117] : memref<32x1024xf32, #tpu.memory_space<hbm>> -> memref<1x1024xf32, #tpu.memory_space<hbm>>
      %dma_start3A_119 = tpu.memref_squeeze %dma_start3A_118 : memref<1x1024xf32, #tpu.memory_space<hbm>> -> memref<1024xf32, #tpu.memory_space<hbm>>
      tpu.enqueue_dma source(%arg7 : memref<1024xf32, #tpu.memory_space<vmem>>) target(%dma_start3A_119 : memref<1024xf32, #tpu.memory_space<hbm>>) target_semaphore(%run_scoped3A : memref<!tpu.dma_semaphore, #tpu.memory_space<semaphore_mem>>)
      %dma_wait3A_120 = arith.constant 0 : i32
      %dma_wait3A_121 = tpu.memref_slice %arg4[%add3A, %dma_wait3A_120] : memref<32x1024xf32, #tpu.memory_space<hbm>> -> memref<1x1024xf32, #tpu.memory_space<hbm>>
      %dma_wait3A_122 = tpu.memref_squeeze %dma_wait3A_121 : memref<1x1024xf32, #tpu.memory_space<hbm>> -> memref<1024xf32, #tpu.memory_space<hbm>>
      %dma_wait3A_123 = arith.constant 0 : i32
      %dma_wait3A_124 = tpu.memref_slice %arg4[%add3A, %dma_wait3A_123] : memref<32x1024xf32, #tpu.memory_space<hbm>> -> memref<1x1024xf32, #tpu.memory_space<hbm>>
      %dma_wait3A_125 = tpu.memref_squeeze %dma_wait3A_124 : memref<1x1024xf32, #tpu.memory_space<hbm>> -> memref<1024xf32, #tpu.memory_space<hbm>>
      tpu.wait_dma2 semaphore(%run_scoped3A : memref<!tpu.dma_semaphore, #tpu.memory_space<semaphore_mem>>) src(%arg7 : memref<1024xf32, #tpu.memory_space<vmem>>) dst(%dma_wait3A_125 : memref<1024xf32, #tpu.memory_space<hbm>>)
      tpu.yield
    }) : () -> ()
    return
  }
}

module attributes {stable_mosaic.version = 14 : i64} {
  func.func @_proj_body(%arg0: i32, %arg1: memref<32x2048xf32, #tpu.memory_space<vmem>>, %arg2: memref<32x1024xf32, #tpu.memory_space<vmem>>, %arg3: memref<2048xf32, #tpu.memory_space<vmem>>, %arg4: memref<100000x1024xf32, #tpu.memory_space<any>>, %arg5: memref<2x2048x1024xf32, #tpu.memory_space<vmem>>, %arg6: memref<2x4x!tpu.dma_semaphore, #tpu.memory_space<semaphore_mem>>) attributes {dimension_semantics = [#tpu.dimension_semantics<arbitrary>], iteration_bounds = array<i64: 49>, scalar_prefetch = 0 : i64, scratch_operands = 2 : i64, tpu.core_type = #tpu.core_type<tc>, window_params = [{transform_indices = @transform_0, window_bounds = array<i64: 32, 2048>}, {pipeline_mode = #tpu.pipeline_mode<synchronous>, transform_indices = @transform_1, window_bounds = array<i64: 32, 1024>}, {transform_indices = @transform_2, window_bounds = array<i64: 2048>}, {}]} {
    %rem3A = arith.constant 2 : i32
    %rem3A_0 = arith.remsi %arg0, %rem3A : i32
    %ge3A = arith.constant 2 : i32
    %ge3A_1 = arith.cmpi sge, %arg0, %ge3A : i32
    %convert_element_type3A = arith.extui %ge3A_1 : i1 to i32
    %cond3A = arith.constant 0 : i32
    %cond3A_2 = arith.cmpi ne, %convert_element_type3A, %cond3A : i32
    scf.if %cond3A_2 {
      %sub3A = arith.constant 2 : i32
      %sub3A_25 = arith.subi %arg0, %sub3A : i32
      %rem3A_26 = arith.constant 2 : i32
      %rem3A_27 = arith.remsi %sub3A_25, %rem3A_26 : i32
      %mul3A = arith.constant 2048 : i32
      %mul3A_28 = arith.muli %sub3A_25, %mul3A : i32
      %multiple_of3A = tpu.assume_multiple %mul3A_28, 2048 : i32
      %add3A_29 = arith.constant 0 : i32
      %add3A_30 = arith.addi %multiple_of3A, %add3A_29 : i32
      %dma_wait3A = arith.constant 0 : i32
      %dma_wait3A_31 = tpu.memref_slice %arg6[%rem3A_27, %dma_wait3A] : memref<2x4x!tpu.dma_semaphore, #tpu.memory_space<semaphore_mem>> -> memref<1x1x!tpu.dma_semaphore, #tpu.memory_space<semaphore_mem>>
      %dma_wait3A_32 = tpu.memref_squeeze %dma_wait3A_31 : memref<1x1x!tpu.dma_semaphore, #tpu.memory_space<semaphore_mem>> -> memref<!tpu.dma_semaphore, #tpu.memory_space<semaphore_mem>>
      %dma_wait3A_33 = arith.constant 0 : i32
      %dma_wait3A_34 = tpu.memref_slice %arg4[%add3A_30, %dma_wait3A_33] : memref<100000x1024xf32, #tpu.memory_space<any>> -> memref<512x1024xf32, #tpu.memory_space<any>>
      %dma_wait3A_35 = arith.constant 0 : i32
      %dma_wait3A_36 = arith.constant 0 : i32
      %dma_wait3A_37 = tpu.memref_slice %arg5[%rem3A_27, %dma_wait3A_35, %dma_wait3A_36] : memref<2x2048x1024xf32, #tpu.memory_space<vmem>> -> memref<1x512x1024xf32, #tpu.memory_space<vmem>>
      %dma_wait3A_38 = tpu.memref_squeeze %dma_wait3A_37 : memref<1x512x1024xf32, #tpu.memory_space<vmem>> -> memref<512x1024xf32, #tpu.memory_space<vmem>>
      tpu.wait_dma2 semaphore(%dma_wait3A_32 : memref<!tpu.dma_semaphore, #tpu.memory_space<semaphore_mem>>) src(%dma_wait3A_38 : memref<512x1024xf32, #tpu.memory_space<vmem>>) dst(%dma_wait3A_34 : memref<512x1024xf32, #tpu.memory_space<any>>)
      %rem3A_39 = arith.constant 2 : i32
      %rem3A_40 = arith.remsi %sub3A_25, %rem3A_39 : i32
      %mul3A_41 = arith.constant 2048 : i32
      %mul3A_42 = arith.muli %sub3A_25, %mul3A_41 : i32
      %multiple_of3A_43 = tpu.assume_multiple %mul3A_42, 2048 : i32
      %add3A_44 = arith.constant 512 : i32
      %add3A_45 = arith.addi %multiple_of3A_43, %add3A_44 : i32
      %dma_wait3A_46 = arith.constant 1 : i32
      %dma_wait3A_47 = tpu.memref_slice %arg6[%rem3A_40, %dma_wait3A_46] : memref<2x4x!tpu.dma_semaphore, #tpu.memory_space<semaphore_mem>> -> memref<1x1x!tpu.dma_semaphore, #tpu.memory_space<semaphore_mem>>
      %dma_wait3A_48 = tpu.memref_squeeze %dma_wait3A_47 : memref<1x1x!tpu.dma_semaphore, #tpu.memory_space<semaphore_mem>> -> memref<!tpu.dma_semaphore, #tpu.memory_space<semaphore_mem>>
      %dma_wait3A_49 = arith.constant 0 : i32
      %dma_wait3A_50 = tpu.memref_slice %arg4[%add3A_45, %dma_wait3A_49] : memref<100000x1024xf32, #tpu.memory_space<any>> -> memref<512x1024xf32, #tpu.memory_space<any>>
      %dma_wait3A_51 = arith.constant 512 : i32
      %dma_wait3A_52 = arith.constant 0 : i32
      %dma_wait3A_53 = tpu.memref_slice %arg5[%rem3A_40, %dma_wait3A_51, %dma_wait3A_52] : memref<2x2048x1024xf32, #tpu.memory_space<vmem>> -> memref<1x512x1024xf32, #tpu.memory_space<vmem>>
      %dma_wait3A_54 = tpu.memref_squeeze %dma_wait3A_53 : memref<1x512x1024xf32, #tpu.memory_space<vmem>> -> memref<512x1024xf32, #tpu.memory_space<vmem>>
      tpu.wait_dma2 semaphore(%dma_wait3A_48 : memref<!tpu.dma_semaphore, #tpu.memory_space<semaphore_mem>>) src(%dma_wait3A_54 : memref<512x1024xf32, #tpu.memory_space<vmem>>) dst(%dma_wait3A_50 : memref<512x1024xf32, #tpu.memory_space<any>>)
      %rem3A_55 = arith.constant 2 : i32
      %rem3A_56 = arith.remsi %sub3A_25, %rem3A_55 : i32
      %mul3A_57 = arith.constant 2048 : i32
      %mul3A_58 = arith.muli %sub3A_25, %mul3A_57 : i32
      %multiple_of3A_59 = tpu.assume_multiple %mul3A_58, 2048 : i32
      %add3A_60 = arith.constant 1024 : i32
      %add3A_61 = arith.addi %multiple_of3A_59, %add3A_60 : i32
      %dma_wait3A_62 = arith.constant 2 : i32
      %dma_wait3A_63 = tpu.memref_slice %arg6[%rem3A_56, %dma_wait3A_62] : memref<2x4x!tpu.dma_semaphore, #tpu.memory_space<semaphore_mem>> -> memref<1x1x!tpu.dma_semaphore, #tpu.memory_space<semaphore_mem>>
      %dma_wait3A_64 = tpu.memref_squeeze %dma_wait3A_63 : memref<1x1x!tpu.dma_semaphore, #tpu.memory_space<semaphore_mem>> -> memref<!tpu.dma_semaphore, #tpu.memory_space<semaphore_mem>>
      %dma_wait3A_65 = arith.constant 0 : i32
      %dma_wait3A_66 = tpu.memref_slice %arg4[%add3A_61, %dma_wait3A_65] : memref<100000x1024xf32, #tpu.memory_space<any>> -> memref<512x1024xf32, #tpu.memory_space<any>>
      %dma_wait3A_67 = arith.constant 1024 : i32
      %dma_wait3A_68 = arith.constant 0 : i32
      %dma_wait3A_69 = tpu.memref_slice %arg5[%rem3A_56, %dma_wait3A_67, %dma_wait3A_68] : memref<2x2048x1024xf32, #tpu.memory_space<vmem>> -> memref<1x512x1024xf32, #tpu.memory_space<vmem>>
      %dma_wait3A_70 = tpu.memref_squeeze %dma_wait3A_69 : memref<1x512x1024xf32, #tpu.memory_space<vmem>> -> memref<512x1024xf32, #tpu.memory_space<vmem>>
      tpu.wait_dma2 semaphore(%dma_wait3A_64 : memref<!tpu.dma_semaphore, #tpu.memory_space<semaphore_mem>>) src(%dma_wait3A_70 : memref<512x1024xf32, #tpu.memory_space<vmem>>) dst(%dma_wait3A_66 : memref<512x1024xf32, #tpu.memory_space<any>>)
      %rem3A_71 = arith.constant 2 : i32
      %rem3A_72 = arith.remsi %sub3A_25, %rem3A_71 : i32
      %mul3A_73 = arith.constant 2048 : i32
      %mul3A_74 = arith.muli %sub3A_25, %mul3A_73 : i32
      %multiple_of3A_75 = tpu.assume_multiple %mul3A_74, 2048 : i32
      %add3A_76 = arith.constant 1536 : i32
      %add3A_77 = arith.addi %multiple_of3A_75, %add3A_76 : i32
      %dma_wait3A_78 = arith.constant 3 : i32
      %dma_wait3A_79 = tpu.memref_slice %arg6[%rem3A_72, %dma_wait3A_78] : memref<2x4x!tpu.dma_semaphore, #tpu.memory_space<semaphore_mem>> -> memref<1x1x!tpu.dma_semaphore, #tpu.memory_space<semaphore_mem>>
      %dma_wait3A_80 = tpu.memref_squeeze %dma_wait3A_79 : memref<1x1x!tpu.dma_semaphore, #tpu.memory_space<semaphore_mem>> -> memref<!tpu.dma_semaphore, #tpu.memory_space<semaphore_mem>>
      %dma_wait3A_81 = arith.constant 0 : i32
      %dma_wait3A_82 = tpu.memref_slice %arg4[%add3A_77, %dma_wait3A_81] : memref<100000x1024xf32, #tpu.memory_space<any>> -> memref<512x1024xf32, #tpu.memory_space<any>>
      %dma_wait3A_83 = arith.constant 1536 : i32
      %dma_wait3A_84 = arith.constant 0 : i32
      %dma_wait3A_85 = tpu.memref_slice %arg5[%rem3A_72, %dma_wait3A_83, %dma_wait3A_84] : memref<2x2048x1024xf32, #tpu.memory_space<vmem>> -> memref<1x512x1024xf32, #tpu.memory_space<vmem>>
      %dma_wait3A_86 = tpu.memref_squeeze %dma_wait3A_85 : memref<1x512x1024xf32, #tpu.memory_space<vmem>> -> memref<512x1024xf32, #tpu.memory_space<vmem>>
      tpu.wait_dma2 semaphore(%dma_wait3A_80 : memref<!tpu.dma_semaphore, #tpu.memory_space<semaphore_mem>>) src(%dma_wait3A_86 : memref<512x1024xf32, #tpu.memory_space<vmem>>) dst(%dma_wait3A_82 : memref<512x1024xf32, #tpu.memory_space<any>>)
    } else {
    }
    %get3A = arith.constant 0 : index
    %get3A_3 = arith.constant 0 : index
    %get3A_4 = vector.load %arg1[%get3A, %get3A_3] : memref<32x2048xf32, #tpu.memory_space<vmem>>, vector<32x2048xf32>
    %get3A_5 = arith.constant 0 : index
    %get3A_6 = arith.constant 0 : index
    %get3A_7 = vector.load %arg2[%get3A_5, %get3A_6] : memref<32x1024xf32, #tpu.memory_space<vmem>>, vector<32x1024xf32>
    %dot_general3A = arith.constant dense<0.000000e+00> : vector<2048x1024xf32>
    %dot_general3A_8 = tpu.matmul %get3A_4, %get3A_7, %dot_general3A {dimension_numbers = #tpu.dot_dimension_numbers<[0], [0], [1], [1], [0, 1, 1, 1], [], []>, transpose_lhs_hint = false} : vector<32x2048xf32>, vector<32x1024xf32>, vector<2048x1024xf32> -> vector<2048x1024xf32>
    %get3A_9 = arith.constant 0 : index
    %get3A_10 = vector.load %arg3[%get3A_9] : memref<2048xf32, #tpu.memory_space<vmem>>, vector<2048xf32>
    %broadcast_in_dim3A = vector.shape_cast %get3A_10 : vector<2048xf32> to vector<2048x1xf32>
    %add3A = vector.broadcast %broadcast_in_dim3A : vector<2048x1xf32> to vector<2048x1024xf32>
    %add3A_11 = arith.addf %dot_general3A_8, %add3A : vector<2048x1024xf32>
    %swap3A = arith.index_cast %rem3A_0 : i32 to index
    %swap3A_12 = arith.constant 0 : index
    %swap3A_13 = arith.constant 0 : index
    %swap3A_14 = vector.load %arg5[%swap3A, %swap3A_12, %swap3A_13] : memref<2x2048x1024xf32, #tpu.memory_space<vmem>>, vector<1x2048x1024xf32>
    %swap3A_15 = vector.shape_cast %swap3A_14 : vector<1x2048x1024xf32> to vector<2048x1024xf32>
    %swap3A_16 = vector.shape_cast %add3A_11 : vector<2048x1024xf32> to vector<1x2048x1024xf32>
    tpu.vector_store %arg5[%swap3A, %swap3A_12, %swap3A_13], %swap3A_16 {strides = array<i32>} : memref<2x2048x1024xf32, #tpu.memory_space<vmem>>, vector<1x2048x1024xf32>,
    %lt3A = arith.constant 48 : i32
    %lt3A_17 = arith.cmpi slt, %arg0, %lt3A : i32
    %convert_element_type3A_18 = arith.extui %lt3A_17 : i1 to i32
    %cond3A_19 = arith.constant 0 : i32
    %cond3A_20 = arith.cmpi ne, %convert_element_type3A_18, %cond3A_19 : i32
    scf.if %cond3A_20 {
      %rem3A_25 = arith.constant 2 : i32
      %rem3A_26 = arith.remsi %arg0, %rem3A_25 : i32
      %mul3A = arith.constant 2048 : i32
      %mul3A_27 = arith.muli %arg0, %mul3A : i32
      %multiple_of3A = tpu.assume_multiple %mul3A_27, 2048 : i32
      %add3A_28 = arith.constant 0 : i32
      %add3A_29 = arith.addi %multiple_of3A, %add3A_28 : i32
      %dma_start3A = arith.constant 0 : i32
      %dma_start3A_30 = tpu.memref_slice %arg6[%rem3A_26, %dma_start3A] : memref<2x4x!tpu.dma_semaphore, #tpu.memory_space<semaphore_mem>> -> memref<1x1x!tpu.dma_semaphore, #tpu.memory_space<semaphore_mem>>
      %dma_start3A_31 = tpu.memref_squeeze %dma_start3A_30 : memref<1x1x!tpu.dma_semaphore, #tpu.memory_space<semaphore_mem>> -> memref<!tpu.dma_semaphore, #tpu.memory_space<semaphore_mem>>
      %dma_start3A_32 = arith.constant 0 : i32
      %dma_start3A_33 = tpu.memref_slice %arg4[%add3A_29, %dma_start3A_32] : memref<100000x1024xf32, #tpu.memory_space<any>> -> memref<512x1024xf32, #tpu.memory_space<any>>
      %dma_start3A_34 = arith.constant 0 : i32
      %dma_start3A_35 = arith.constant 0 : i32
      %dma_start3A_36 = tpu.memref_slice %arg5[%rem3A_26, %dma_start3A_34, %dma_start3A_35] : memref<2x2048x1024xf32, #tpu.memory_space<vmem>> -> memref<1x512x1024xf32, #tpu.memory_space<vmem>>
      %dma_start3A_37 = tpu.memref_squeeze %dma_start3A_36 : memref<1x512x1024xf32, #tpu.memory_space<vmem>> -> memref<512x1024xf32, #tpu.memory_space<vmem>>
      tpu.enqueue_dma source(%dma_start3A_37 : memref<512x1024xf32, #tpu.memory_space<vmem>>) target(%dma_start3A_33 : memref<512x1024xf32, #tpu.memory_space<any>>) target_semaphore(%dma_start3A_31 : memref<!tpu.dma_semaphore, #tpu.memory_space<semaphore_mem>>)
      %rem3A_38 = arith.constant 2 : i32
      %rem3A_39 = arith.remsi %arg0, %rem3A_38 : i32
      %mul3A_40 = arith.constant 2048 : i32
      %mul3A_41 = arith.muli %arg0, %mul3A_40 : i32
      %multiple_of3A_42 = tpu.assume_multiple %mul3A_41, 2048 : i32
      %add3A_43 = arith.constant 512 : i32
      %add3A_44 = arith.addi %multiple_of3A_42, %add3A_43 : i32
      %dma_start3A_45 = arith.constant 1 : i32
      %dma_start3A_46 = tpu.memref_slice %arg6[%rem3A_39, %dma_start3A_45] : memref<2x4x!tpu.dma_semaphore, #tpu.memory_space<semaphore_mem>> -> memref<1x1x!tpu.dma_semaphore, #tpu.memory_space<semaphore_mem>>
      %dma_start3A_47 = tpu.memref_squeeze %dma_start3A_46 : memref<1x1x!tpu.dma_semaphore, #tpu.memory_space<semaphore_mem>> -> memref<!tpu.dma_semaphore, #tpu.memory_space<semaphore_mem>>
      %dma_start3A_48 = arith.constant 0 : i32
      %dma_start3A_49 = tpu.memref_slice %arg4[%add3A_44, %dma_start3A_48] : memref<100000x1024xf32, #tpu.memory_space<any>> -> memref<512x1024xf32, #tpu.memory_space<any>>
      %dma_start3A_50 = arith.constant 512 : i32
      %dma_start3A_51 = arith.constant 0 : i32
      %dma_start3A_52 = tpu.memref_slice %arg5[%rem3A_39, %dma_start3A_50, %dma_start3A_51] : memref<2x2048x1024xf32, #tpu.memory_space<vmem>> -> memref<1x512x1024xf32, #tpu.memory_space<vmem>>
      %dma_start3A_53 = tpu.memref_squeeze %dma_start3A_52 : memref<1x512x1024xf32, #tpu.memory_space<vmem>> -> memref<512x1024xf32, #tpu.memory_space<vmem>>
      tpu.enqueue_dma source(%dma_start3A_53 : memref<512x1024xf32, #tpu.memory_space<vmem>>) target(%dma_start3A_49 : memref<512x1024xf32, #tpu.memory_space<any>>) target_semaphore(%dma_start3A_47 : memref<!tpu.dma_semaphore, #tpu.memory_space<semaphore_mem>>)
      %rem3A_54 = arith.constant 2 : i32
      %rem3A_55 = arith.remsi %arg0, %rem3A_54 : i32
      %mul3A_56 = arith.constant 2048 : i32
      %mul3A_57 = arith.muli %arg0, %mul3A_56 : i32
      %multiple_of3A_58 = tpu.assume_multiple %mul3A_57, 2048 : i32
      %add3A_59 = arith.constant 1024 : i32
      %add3A_60 = arith.addi %multiple_of3A_58, %add3A_59 : i32
      %dma_start3A_61 = arith.constant 2 : i32
      %dma_start3A_62 = tpu.memref_slice %arg6[%rem3A_55, %dma_start3A_61] : memref<2x4x!tpu.dma_semaphore, #tpu.memory_space<semaphore_mem>> -> memref<1x1x!tpu.dma_semaphore, #tpu.memory_space<semaphore_mem>>
      %dma_start3A_63 = tpu.memref_squeeze %dma_start3A_62 : memref<1x1x!tpu.dma_semaphore, #tpu.memory_space<semaphore_mem>> -> memref<!tpu.dma_semaphore, #tpu.memory_space<semaphore_mem>>
      %dma_start3A_64 = arith.constant 0 : i32
      %dma_start3A_65 = tpu.memref_slice %arg4[%add3A_60, %dma_start3A_64] : memref<100000x1024xf32, #tpu.memory_space<any>> -> memref<512x1024xf32, #tpu.memory_space<any>>
      %dma_start3A_66 = arith.constant 1024 : i32
      %dma_start3A_67 = arith.constant 0 : i32
      %dma_start3A_68 = tpu.memref_slice %arg5[%rem3A_55, %dma_start3A_66, %dma_start3A_67] : memref<2x2048x1024xf32, #tpu.memory_space<vmem>> -> memref<1x512x1024xf32, #tpu.memory_space<vmem>>
      %dma_start3A_69 = tpu.memref_squeeze %dma_start3A_68 : memref<1x512x1024xf32, #tpu.memory_space<vmem>> -> memref<512x1024xf32, #tpu.memory_space<vmem>>
      tpu.enqueue_dma source(%dma_start3A_69 : memref<512x1024xf32, #tpu.memory_space<vmem>>) target(%dma_start3A_65 : memref<512x1024xf32, #tpu.memory_space<any>>) target_semaphore(%dma_start3A_63 : memref<!tpu.dma_semaphore, #tpu.memory_space<semaphore_mem>>)
      %rem3A_70 = arith.constant 2 : i32
      %rem3A_71 = arith.remsi %arg0, %rem3A_70 : i32
      %mul3A_72 = arith.constant 2048 : i32
      %mul3A_73 = arith.muli %arg0, %mul3A_72 : i32
      %multiple_of3A_74 = tpu.assume_multiple %mul3A_73, 2048 : i32
      %add3A_75 = arith.constant 1536 : i32
      %add3A_76 = arith.addi %multiple_of3A_74, %add3A_75 : i32
      %dma_start3A_77 = arith.constant 3 : i32
      %dma_start3A_78 = tpu.memref_slice %arg6[%rem3A_71, %dma_start3A_77] : memref<2x4x!tpu.dma_semaphore, #tpu.memory_space<semaphore_mem>> -> memref<1x1x!tpu.dma_semaphore, #tpu.memory_space<semaphore_mem>>
      %dma_start3A_79 = tpu.memref_squeeze %dma_start3A_78 : memref<1x1x!tpu.dma_semaphore, #tpu.memory_space<semaphore_mem>> -> memref<!tpu.dma_semaphore, #tpu.memory_space<semaphore_mem>>
      %dma_start3A_80 = arith.constant 0 : i32
      %dma_start3A_81 = tpu.memref_slice %arg4[%add3A_76, %dma_start3A_80] : memref<100000x1024xf32, #tpu.memory_space<any>> -> memref<512x1024xf32, #tpu.memory_space<any>>
      %dma_start3A_82 = arith.constant 1536 : i32
      %dma_start3A_83 = arith.constant 0 : i32
      %dma_start3A_84 = tpu.memref_slice %arg5[%rem3A_71, %dma_start3A_82, %dma_start3A_83] : memref<2x2048x1024xf32, #tpu.memory_space<vmem>> -> memref<1x512x1024xf32, #tpu.memory_space<vmem>>
      %dma_start3A_85 = tpu.memref_squeeze %dma_start3A_84 : memref<1x512x1024xf32, #tpu.memory_space<vmem>> -> memref<512x1024xf32, #tpu.memory_space<vmem>>
      tpu.enqueue_dma source(%dma_start3A_85 : memref<512x1024xf32, #tpu.memory_space<vmem>>) target(%dma_start3A_81 : memref<512x1024xf32, #tpu.memory_space<any>>) target_semaphore(%dma_start3A_79 : memref<!tpu.dma_semaphore, #tpu.memory_space<semaphore_mem>>)
    } else {
    }
    %eq3A = arith.constant 48 : i32
    %eq3A_21 = arith.cmpi eq, %arg0, %eq3A : i32
    %convert_element_type3A_22 = arith.extui %eq3A_21 : i1 to i32
    %cond3A_23 = arith.constant 0 : i32
    %cond3A_24 = arith.cmpi ne, %convert_element_type3A_22, %cond3A_23 : i32
    scf.if %cond3A_24 {
      %rem3A_25 = arith.constant 2 : i32
      %rem3A_26 = arith.remsi %arg0, %rem3A_25 : i32
      %mul3A = arith.constant 2048 : i32
      %mul3A_27 = arith.muli %arg0, %mul3A : i32
      %multiple_of3A = tpu.assume_multiple %mul3A_27, 2048 : i32
      %add3A_28 = arith.constant 0 : i32
      %add3A_29 = arith.addi %multiple_of3A, %add3A_28 : i32
      %dma_start3A = arith.constant 0 : i32
      %dma_start3A_30 = tpu.memref_slice %arg6[%rem3A_26, %dma_start3A] : memref<2x4x!tpu.dma_semaphore, #tpu.memory_space<semaphore_mem>> -> memref<1x1x!tpu.dma_semaphore, #tpu.memory_space<semaphore_mem>>
      %dma_start3A_31 = tpu.memref_squeeze %dma_start3A_30 : memref<1x1x!tpu.dma_semaphore, #tpu.memory_space<semaphore_mem>> -> memref<!tpu.dma_semaphore, #tpu.memory_space<semaphore_mem>>
      %dma_start3A_32 = arith.constant 0 : i32
      %dma_start3A_33 = tpu.memref_slice %arg4[%add3A_29, %dma_start3A_32] : memref<100000x1024xf32, #tpu.memory_space<any>> -> memref<512x1024xf32, #tpu.memory_space<any>>
      %dma_start3A_34 = arith.constant 0 : i32
      %dma_start3A_35 = arith.constant 0 : i32
      %dma_start3A_36 = tpu.memref_slice %arg5[%rem3A_26, %dma_start3A_34, %dma_start3A_35] : memref<2x2048x1024xf32, #tpu.memory_space<vmem>> -> memref<1x512x1024xf32, #tpu.memory_space<vmem>>
      %dma_start3A_37 = tpu.memref_squeeze %dma_start3A_36 : memref<1x512x1024xf32, #tpu.memory_space<vmem>> -> memref<512x1024xf32, #tpu.memory_space<vmem>>
      tpu.enqueue_dma source(%dma_start3A_37 : memref<512x1024xf32, #tpu.memory_space<vmem>>) target(%dma_start3A_33 : memref<512x1024xf32, #tpu.memory_space<any>>) target_semaphore(%dma_start3A_31 : memref<!tpu.dma_semaphore, #tpu.memory_space<semaphore_mem>>)
      %rem3A_38 = arith.constant 2 : i32
      %rem3A_39 = arith.remsi %arg0, %rem3A_38 : i32
      %mul3A_40 = arith.constant 2048 : i32
      %mul3A_41 = arith.muli %arg0, %mul3A_40 : i32
      %multiple_of3A_42 = tpu.assume_multiple %mul3A_41, 2048 : i32
      %add3A_43 = arith.constant 512 : i32
      %add3A_44 = arith.addi %multiple_of3A_42, %add3A_43 : i32
      %dma_start3A_45 = arith.constant 1 : i32
      %dma_start3A_46 = tpu.memref_slice %arg6[%rem3A_39, %dma_start3A_45] : memref<2x4x!tpu.dma_semaphore, #tpu.memory_space<semaphore_mem>> -> memref<1x1x!tpu.dma_semaphore, #tpu.memory_space<semaphore_mem>>
      %dma_start3A_47 = tpu.memref_squeeze %dma_start3A_46 : memref<1x1x!tpu.dma_semaphore, #tpu.memory_space<semaphore_mem>> -> memref<!tpu.dma_semaphore, #tpu.memory_space<semaphore_mem>>
      %dma_start3A_48 = arith.constant 0 : i32
      %dma_start3A_49 = tpu.memref_slice %arg4[%add3A_44, %dma_start3A_48] : memref<100000x1024xf32, #tpu.memory_space<any>> -> memref<512x1024xf32, #tpu.memory_space<any>>
      %dma_start3A_50 = arith.constant 512 : i32
      %dma_start3A_51 = arith.constant 0 : i32
      %dma_start3A_52 = tpu.memref_slice %arg5[%rem3A_39, %dma_start3A_50, %dma_start3A_51] : memref<2x2048x1024xf32, #tpu.memory_space<vmem>> -> memref<1x512x1024xf32, #tpu.memory_space<vmem>>
      %dma_start3A_53 = tpu.memref_squeeze %dma_start3A_52 : memref<1x512x1024xf32, #tpu.memory_space<vmem>> -> memref<512x1024xf32, #tpu.memory_space<vmem>>
      tpu.enqueue_dma source(%dma_start3A_53 : memref<512x1024xf32, #tpu.memory_space<vmem>>) target(%dma_start3A_49 : memref<512x1024xf32, #tpu.memory_space<any>>) target_semaphore(%dma_start3A_47 : memref<!tpu.dma_semaphore, #tpu.memory_space<semaphore_mem>>)
      %rem3A_54 = arith.constant 2 : i32
      %rem3A_55 = arith.remsi %arg0, %rem3A_54 : i32
      %mul3A_56 = arith.constant 2048 : i32
      %mul3A_57 = arith.muli %arg0, %mul3A_56 : i32
      %multiple_of3A_58 = tpu.assume_multiple %mul3A_57, 2048 : i32
      %add3A_59 = arith.constant 1024 : i32
      %add3A_60 = arith.addi %multiple_of3A_58, %add3A_59 : i32
      %dma_start3A_61 = arith.constant 2 : i32
      %dma_start3A_62 = tpu.memref_slice %arg6[%rem3A_55, %dma_start3A_61] : memref<2x4x!tpu.dma_semaphore, #tpu.memory_space<semaphore_mem>> -> memref<1x1x!tpu.dma_semaphore, #tpu.memory_space<semaphore_mem>>
      %dma_start3A_63 = tpu.memref_squeeze %dma_start3A_62 : memref<1x1x!tpu.dma_semaphore, #tpu.memory_space<semaphore_mem>> -> memref<!tpu.dma_semaphore, #tpu.memory_space<semaphore_mem>>
      %dma_start3A_64 = arith.constant 0 : i32
      %dma_start3A_65 = tpu.memref_slice %arg4[%add3A_60, %dma_start3A_64] : memref<100000x1024xf32, #tpu.memory_space<any>> -> memref<512x1024xf32, #tpu.memory_space<any>>
      %dma_start3A_66 = arith.constant 1024 : i32
      %dma_start3A_67 = arith.constant 0 : i32
      %dma_start3A_68 = tpu.memref_slice %arg5[%rem3A_55, %dma_start3A_66, %dma_start3A_67] : memref<2x2048x1024xf32, #tpu.memory_space<vmem>> -> memref<1x512x1024xf32, #tpu.memory_space<vmem>>
      %dma_start3A_69 = tpu.memref_squeeze %dma_start3A_68 : memref<1x512x1024xf32, #tpu.memory_space<vmem>> -> memref<512x1024xf32, #tpu.memory_space<vmem>>
      tpu.enqueue_dma source(%dma_start3A_69 : memref<512x1024xf32, #tpu.memory_space<vmem>>) target(%dma_start3A_65 : memref<512x1024xf32, #tpu.memory_space<any>>) target_semaphore(%dma_start3A_63 : memref<!tpu.dma_semaphore, #tpu.memory_space<semaphore_mem>>)
      %rem3A_70 = arith.constant 2 : i32
      %rem3A_71 = arith.remsi %arg0, %rem3A_70 : i32
      %mul3A_72 = arith.constant 2048 : i32
      %mul3A_73 = arith.muli %arg0, %mul3A_72 : i32
      %multiple_of3A_74 = tpu.assume_multiple %mul3A_73, 2048 : i32
      %add3A_75 = arith.constant 1536 : i32
      %add3A_76 = arith.addi %multiple_of3A_74, %add3A_75 : i32
      %dma_start3A_77 = arith.constant 3 : i32
      %dma_start3A_78 = tpu.memref_slice %arg6[%rem3A_71, %dma_start3A_77] : memref<2x4x!tpu.dma_semaphore, #tpu.memory_space<semaphore_mem>> -> memref<1x1x!tpu.dma_semaphore, #tpu.memory_space<semaphore_mem>>
      %dma_start3A_79 = tpu.memref_squeeze %dma_start3A_78 : memref<1x1x!tpu.dma_semaphore, #tpu.memory_space<semaphore_mem>> -> memref<!tpu.dma_semaphore, #tpu.memory_space<semaphore_mem>>
      %dma_start3A_80 = arith.constant 0 : i32
      %dma_start3A_81 = tpu.memref_slice %arg4[%add3A_76, %dma_start3A_80] : memref<100000x1024xf32, #tpu.memory_space<any>> -> memref<160x1024xf32, #tpu.memory_space<any>>
      %dma_start3A_82 = arith.constant 1536 : i32
      %dma_start3A_83 = arith.constant 0 : i32
      %dma_start3A_84 = tpu.memref_slice %arg5[%rem3A_71, %dma_start3A_82, %dma_start3A_83] : memref<2x2048x1024xf32, #tpu.memory_space<vmem>> -> memref<1x160x1024xf32, #tpu.memory_space<vmem>>
      %dma_start3A_85 = tpu.memref_squeeze %dma_start3A_84 : memref<1x160x1024xf32, #tpu.memory_space<vmem>> -> memref<160x1024xf32, #tpu.memory_space<vmem>>
      tpu.enqueue_dma source(%dma_start3A_85 : memref<160x1024xf32, #tpu.memory_space<vmem>>) target(%dma_start3A_81 : memref<160x1024xf32, #tpu.memory_space<any>>) target_semaphore(%dma_start3A_79 : memref<!tpu.dma_semaphore, #tpu.memory_space<semaphore_mem>>)
      %sub3A = arith.constant 1 : i32
      %sub3A_86 = arith.subi %arg0, %sub3A : i32
      %rem3A_87 = arith.constant 2 : i32
      %rem3A_88 = arith.remsi %sub3A_86, %rem3A_87 : i32
      %mul3A_89 = arith.constant 2048 : i32
      %mul3A_90 = arith.muli %sub3A_86, %mul3A_89 : i32
      %multiple_of3A_91 = tpu.assume_multiple %mul3A_90, 2048 : i32
      %add3A_92 = arith.constant 0 : i32
      %add3A_93 = arith.addi %multiple_of3A_91, %add3A_92 : i32
      %dma_wait3A = arith.constant 0 : i32
      %dma_wait3A_94 = tpu.memref_slice %arg6[%rem3A_88, %dma_wait3A] : memref<2x4x!tpu.dma_semaphore, #tpu.memory_space<semaphore_mem>> -> memref<1x1x!tpu.dma_semaphore, #tpu.memory_space<semaphore_mem>>
      %dma_wait3A_95 = tpu.memref_squeeze %dma_wait3A_94 : memref<1x1x!tpu.dma_semaphore, #tpu.memory_space<semaphore_mem>> -> memref<!tpu.dma_semaphore, #tpu.memory_space<semaphore_mem>>
      %dma_wait3A_96 = arith.constant 0 : i32
      %dma_wait3A_97 = tpu.memref_slice %arg4[%add3A_93, %dma_wait3A_96] : memref<100000x1024xf32, #tpu.memory_space<any>> -> memref<512x1024xf32, #tpu.memory_space<any>>
      %dma_wait3A_98 = arith.constant 0 : i32
      %dma_wait3A_99 = arith.constant 0 : i32
      %dma_wait3A_100 = tpu.memref_slice %arg5[%rem3A_88, %dma_wait3A_98, %dma_wait3A_99] : memref<2x2048x1024xf32, #tpu.memory_space<vmem>> -> memref<1x512x1024xf32, #tpu.memory_space<vmem>>
      %dma_wait3A_101 = tpu.memref_squeeze %dma_wait3A_100 : memref<1x512x1024xf32, #tpu.memory_space<vmem>> -> memref<512x1024xf32, #tpu.memory_space<vmem>>
      tpu.wait_dma2 semaphore(%dma_wait3A_95 : memref<!tpu.dma_semaphore, #tpu.memory_space<semaphore_mem>>) src(%dma_wait3A_101 : memref<512x1024xf32, #tpu.memory_space<vmem>>) dst(%dma_wait3A_97 : memref<512x1024xf32, #tpu.memory_space<any>>)
      %rem3A_102 = arith.constant 2 : i32
      %rem3A_103 = arith.remsi %sub3A_86, %rem3A_102 : i32
      %mul3A_104 = arith.constant 2048 : i32
      %mul3A_105 = arith.muli %sub3A_86, %mul3A_104 : i32
      %multiple_of3A_106 = tpu.assume_multiple %mul3A_105, 2048 : i32
      %add3A_107 = arith.constant 512 : i32
      %add3A_108 = arith.addi %multiple_of3A_106, %add3A_107 : i32
      %dma_wait3A_109 = arith.constant 1 : i32
      %dma_wait3A_110 = tpu.memref_slice %arg6[%rem3A_103, %dma_wait3A_109] : memref<2x4x!tpu.dma_semaphore, #tpu.memory_space<semaphore_mem>> -> memref<1x1x!tpu.dma_semaphore, #tpu.memory_space<semaphore_mem>>
      %dma_wait3A_111 = tpu.memref_squeeze %dma_wait3A_110 : memref<1x1x!tpu.dma_semaphore, #tpu.memory_space<semaphore_mem>> -> memref<!tpu.dma_semaphore, #tpu.memory_space<semaphore_mem>>
      %dma_wait3A_112 = arith.constant 0 : i32
      %dma_wait3A_113 = tpu.memref_slice %arg4[%add3A_108, %dma_wait3A_112] : memref<100000x1024xf32, #tpu.memory_space<any>> -> memref<512x1024xf32, #tpu.memory_space<any>>
      %dma_wait3A_114 = arith.constant 512 : i32
      %dma_wait3A_115 = arith.constant 0 : i32
      %dma_wait3A_116 = tpu.memref_slice %arg5[%rem3A_103, %dma_wait3A_114, %dma_wait3A_115] : memref<2x2048x1024xf32, #tpu.memory_space<vmem>> -> memref<1x512x1024xf32, #tpu.memory_space<vmem>>
      %dma_wait3A_117 = tpu.memref_squeeze %dma_wait3A_116 : memref<1x512x1024xf32, #tpu.memory_space<vmem>> -> memref<512x1024xf32, #tpu.memory_space<vmem>>
      tpu.wait_dma2 semaphore(%dma_wait3A_111 : memref<!tpu.dma_semaphore, #tpu.memory_space<semaphore_mem>>) src(%dma_wait3A_117 : memref<512x1024xf32, #tpu.memory_space<vmem>>) dst(%dma_wait3A_113 : memref<512x1024xf32, #tpu.memory_space<any>>)
      %rem3A_118 = arith.constant 2 : i32
      %rem3A_119 = arith.remsi %sub3A_86, %rem3A_118 : i32
      %mul3A_120 = arith.constant 2048 : i32
      %mul3A_121 = arith.muli %sub3A_86, %mul3A_120 : i32
      %multiple_of3A_122 = tpu.assume_multiple %mul3A_121, 2048 : i32
      %add3A_123 = arith.constant 1024 : i32
      %add3A_124 = arith.addi %multiple_of3A_122, %add3A_123 : i32
      %dma_wait3A_125 = arith.constant 2 : i32
      %dma_wait3A_126 = tpu.memref_slice %arg6[%rem3A_119, %dma_wait3A_125] : memref<2x4x!tpu.dma_semaphore, #tpu.memory_space<semaphore_mem>> -> memref<1x1x!tpu.dma_semaphore, #tpu.memory_space<semaphore_mem>>
      %dma_wait3A_127 = tpu.memref_squeeze %dma_wait3A_126 : memref<1x1x!tpu.dma_semaphore, #tpu.memory_space<semaphore_mem>> -> memref<!tpu.dma_semaphore, #tpu.memory_space<semaphore_mem>>
      %dma_wait3A_128 = arith.constant 0 : i32
      %dma_wait3A_129 = tpu.memref_slice %arg4[%add3A_124, %dma_wait3A_128] : memref<100000x1024xf32, #tpu.memory_space<any>> -> memref<512x1024xf32, #tpu.memory_space<any>>
      %dma_wait3A_130 = arith.constant 1024 : i32
      %dma_wait3A_131 = arith.constant 0 : i32
      %dma_wait3A_132 = tpu.memref_slice %arg5[%rem3A_119, %dma_wait3A_130, %dma_wait3A_131] : memref<2x2048x1024xf32, #tpu.memory_space<vmem>> -> memref<1x512x1024xf32, #tpu.memory_space<vmem>>
      %dma_wait3A_133 = tpu.memref_squeeze %dma_wait3A_132 : memref<1x512x1024xf32, #tpu.memory_space<vmem>> -> memref<512x1024xf32, #tpu.memory_space<vmem>>
      tpu.wait_dma2 semaphore(%dma_wait3A_127 : memref<!tpu.dma_semaphore, #tpu.memory_space<semaphore_mem>>) src(%dma_wait3A_133 : memref<512x1024xf32, #tpu.memory_space<vmem>>) dst(%dma_wait3A_129 : memref<512x1024xf32, #tpu.memory_space<any>>)
      %rem3A_134 = arith.constant 2 : i32
      %rem3A_135 = arith.remsi %sub3A_86, %rem3A_134 : i32
      %mul3A_136 = arith.constant 2048 : i32
      %mul3A_137 = arith.muli %sub3A_86, %mul3A_136 : i32
      %multiple_of3A_138 = tpu.assume_multiple %mul3A_137, 2048 : i32
      %add3A_139 = arith.constant 1536 : i32
      %add3A_140 = arith.addi %multiple_of3A_138, %add3A_139 : i32
      %dma_wait3A_141 = arith.constant 3 : i32
      %dma_wait3A_142 = tpu.memref_slice %arg6[%rem3A_135, %dma_wait3A_141] : memref<2x4x!tpu.dma_semaphore, #tpu.memory_space<semaphore_mem>> -> memref<1x1x!tpu.dma_semaphore, #tpu.memory_space<semaphore_mem>>
      %dma_wait3A_143 = tpu.memref_squeeze %dma_wait3A_142 : memref<1x1x!tpu.dma_semaphore, #tpu.memory_space<semaphore_mem>> -> memref<!tpu.dma_semaphore, #tpu.memory_space<semaphore_mem>>
      %dma_wait3A_144 = arith.constant 0 : i32
      %dma_wait3A_145 = tpu.memref_slice %arg4[%add3A_140, %dma_wait3A_144] : memref<100000x1024xf32, #tpu.memory_space<any>> -> memref<512x1024xf32, #tpu.memory_space<any>>
      %dma_wait3A_146 = arith.constant 1536 : i32
      %dma_wait3A_147 = arith.constant 0 : i32
      %dma_wait3A_148 = tpu.memref_slice %arg5[%rem3A_135, %dma_wait3A_146, %dma_wait3A_147] : memref<2x2048x1024xf32, #tpu.memory_space<vmem>> -> memref<1x512x1024xf32, #tpu.memory_space<vmem>>
      %dma_wait3A_149 = tpu.memref_squeeze %dma_wait3A_148 : memref<1x512x1024xf32, #tpu.memory_space<vmem>> -> memref<512x1024xf32, #tpu.memory_space<vmem>>
      tpu.wait_dma2 semaphore(%dma_wait3A_143 : memref<!tpu.dma_semaphore, #tpu.memory_space<semaphore_mem>>) src(%dma_wait3A_149 : memref<512x1024xf32, #tpu.memory_space<vmem>>) dst(%dma_wait3A_145 : memref<512x1024xf32, #tpu.memory_space<any>>)
      %rem3A_150 = arith.constant 2 : i32
      %rem3A_151 = arith.remsi %arg0, %rem3A_150 : i32
      %mul3A_152 = arith.constant 2048 : i32
      %mul3A_153 = arith.muli %arg0, %mul3A_152 : i32
      %multiple_of3A_154 = tpu.assume_multiple %mul3A_153, 2048 : i32
      %add3A_155 = arith.constant 0 : i32
      %add3A_156 = arith.addi %multiple_of3A_154, %add3A_155 : i32
      %dma_wait3A_157 = arith.constant 0 : i32
      %dma_wait3A_158 = tpu.memref_slice %arg6[%rem3A_151, %dma_wait3A_157] : memref<2x4x!tpu.dma_semaphore, #tpu.memory_space<semaphore_mem>> -> memref<1x1x!tpu.dma_semaphore, #tpu.memory_space<semaphore_mem>>
      %dma_wait3A_159 = tpu.memref_squeeze %dma_wait3A_158 : memref<1x1x!tpu.dma_semaphore, #tpu.memory_space<semaphore_mem>> -> memref<!tpu.dma_semaphore, #tpu.memory_space<semaphore_mem>>
      %dma_wait3A_160 = arith.constant 0 : i32
      %dma_wait3A_161 = tpu.memref_slice %arg4[%add3A_156, %dma_wait3A_160] : memref<100000x1024xf32, #tpu.memory_space<any>> -> memref<512x1024xf32, #tpu.memory_space<any>>
      %dma_wait3A_162 = arith.constant 0 : i32
      %dma_wait3A_163 = arith.constant 0 : i32
      %dma_wait3A_164 = tpu.memref_slice %arg5[%rem3A_151, %dma_wait3A_162, %dma_wait3A_163] : memref<2x2048x1024xf32, #tpu.memory_space<vmem>> -> memref<1x512x1024xf32, #tpu.memory_space<vmem>>
      %dma_wait3A_165 = tpu.memref_squeeze %dma_wait3A_164 : memref<1x512x1024xf32, #tpu.memory_space<vmem>> -> memref<512x1024xf32, #tpu.memory_space<vmem>>
      tpu.wait_dma2 semaphore(%dma_wait3A_159 : memref<!tpu.dma_semaphore, #tpu.memory_space<semaphore_mem>>) src(%dma_wait3A_165 : memref<512x1024xf32, #tpu.memory_space<vmem>>) dst(%dma_wait3A_161 : memref<512x1024xf32, #tpu.memory_space<any>>)
      %rem3A_166 = arith.constant 2 : i32
      %rem3A_167 = arith.remsi %arg0, %rem3A_166 : i32
      %mul3A_168 = arith.constant 2048 : i32
      %mul3A_169 = arith.muli %arg0, %mul3A_168 : i32
      %multiple_of3A_170 = tpu.assume_multiple %mul3A_169, 2048 : i32
      %add3A_171 = arith.constant 512 : i32
      %add3A_172 = arith.addi %multiple_of3A_170, %add3A_171 : i32
      %dma_wait3A_173 = arith.constant 1 : i32
      %dma_wait3A_174 = tpu.memref_slice %arg6[%rem3A_167, %dma_wait3A_173] : memref<2x4x!tpu.dma_semaphore, #tpu.memory_space<semaphore_mem>> -> memref<1x1x!tpu.dma_semaphore, #tpu.memory_space<semaphore_mem>>
      %dma_wait3A_175 = tpu.memref_squeeze %dma_wait3A_174 : memref<1x1x!tpu.dma_semaphore, #tpu.memory_space<semaphore_mem>> -> memref<!tpu.dma_semaphore, #tpu.memory_space<semaphore_mem>>
      %dma_wait3A_176 = arith.constant 0 : i32
      %dma_wait3A_177 = tpu.memref_slice %arg4[%add3A_172, %dma_wait3A_176] : memref<100000x1024xf32, #tpu.memory_space<any>> -> memref<512x1024xf32, #tpu.memory_space<any>>
      %dma_wait3A_178 = arith.constant 512 : i32
      %dma_wait3A_179 = arith.constant 0 : i32
      %dma_wait3A_180 = tpu.memref_slice %arg5[%rem3A_167, %dma_wait3A_178, %dma_wait3A_179] : memref<2x2048x1024xf32, #tpu.memory_space<vmem>> -> memref<1x512x1024xf32, #tpu.memory_space<vmem>>
      %dma_wait3A_181 = tpu.memref_squeeze %dma_wait3A_180 : memref<1x512x1024xf32, #tpu.memory_space<vmem>> -> memref<512x1024xf32, #tpu.memory_space<vmem>>
      tpu.wait_dma2 semaphore(%dma_wait3A_175 : memref<!tpu.dma_semaphore, #tpu.memory_space<semaphore_mem>>) src(%dma_wait3A_181 : memref<512x1024xf32, #tpu.memory_space<vmem>>) dst(%dma_wait3A_177 : memref<512x1024xf32, #tpu.memory_space<any>>)
      %rem3A_182 = arith.constant 2 : i32
      %rem3A_183 = arith.remsi %arg0, %rem3A_182 : i32
      %mul3A_184 = arith.constant 2048 : i32
      %mul3A_185 = arith.muli %arg0, %mul3A_184 : i32
      %multiple_of3A_186 = tpu.assume_multiple %mul3A_185, 2048 : i32
      %add3A_187 = arith.constant 1024 : i32
      %add3A_188 = arith.addi %multiple_of3A_186, %add3A_187 : i32
      %dma_wait3A_189 = arith.constant 2 : i32
      %dma_wait3A_190 = tpu.memref_slice %arg6[%rem3A_183, %dma_wait3A_189] : memref<2x4x!tpu.dma_semaphore, #tpu.memory_space<semaphore_mem>> -> memref<1x1x!tpu.dma_semaphore, #tpu.memory_space<semaphore_mem>>
      %dma_wait3A_191 = tpu.memref_squeeze %dma_wait3A_190 : memref<1x1x!tpu.dma_semaphore, #tpu.memory_space<semaphore_mem>> -> memref<!tpu.dma_semaphore, #tpu.memory_space<semaphore_mem>>
      %dma_wait3A_192 = arith.constant 0 : i32
      %dma_wait3A_193 = tpu.memref_slice %arg4[%add3A_188, %dma_wait3A_192] : memref<100000x1024xf32, #tpu.memory_space<any>> -> memref<512x1024xf32, #tpu.memory_space<any>>
      %dma_wait3A_194 = arith.constant 1024 : i32
      %dma_wait3A_195 = arith.constant 0 : i32
      %dma_wait3A_196 = tpu.memref_slice %arg5[%rem3A_183, %dma_wait3A_194, %dma_wait3A_195] : memref<2x2048x1024xf32, #tpu.memory_space<vmem>> -> memref<1x512x1024xf32, #tpu.memory_space<vmem>>
      %dma_wait3A_197 = tpu.memref_squeeze %dma_wait3A_196 : memref<1x512x1024xf32, #tpu.memory_space<vmem>> -> memref<512x1024xf32, #tpu.memory_space<vmem>>
      tpu.wait_dma2 semaphore(%dma_wait3A_191 : memref<!tpu.dma_semaphore, #tpu.memory_space<semaphore_mem>>) src(%dma_wait3A_197 : memref<512x1024xf32, #tpu.memory_space<vmem>>) dst(%dma_wait3A_193 : memref<512x1024xf32, #tpu.memory_space<any>>)
      %rem3A_198 = arith.constant 2 : i32
      %rem3A_199 = arith.remsi %arg0, %rem3A_198 : i32
      %mul3A_200 = arith.constant 2048 : i32
      %mul3A_201 = arith.muli %arg0, %mul3A_200 : i32
      %multiple_of3A_202 = tpu.assume_multiple %mul3A_201, 2048 : i32
      %add3A_203 = arith.constant 1536 : i32
      %add3A_204 = arith.addi %multiple_of3A_202, %add3A_203 : i32
      %dma_wait3A_205 = arith.constant 3 : i32
      %dma_wait3A_206 = tpu.memref_slice %arg6[%rem3A_199, %dma_wait3A_205] : memref<2x4x!tpu.dma_semaphore, #tpu.memory_space<semaphore_mem>> -> memref<1x1x!tpu.dma_semaphore, #tpu.memory_space<semaphore_mem>>
      %dma_wait3A_207 = tpu.memref_squeeze %dma_wait3A_206 : memref<1x1x!tpu.dma_semaphore, #tpu.memory_space<semaphore_mem>> -> memref<!tpu.dma_semaphore, #tpu.memory_space<semaphore_mem>>
      %dma_wait3A_208 = arith.constant 0 : i32
      %dma_wait3A_209 = tpu.memref_slice %arg4[%add3A_204, %dma_wait3A_208] : memref<100000x1024xf32, #tpu.memory_space<any>> -> memref<160x1024xf32, #tpu.memory_space<any>>
      %dma_wait3A_210 = arith.constant 1536 : i32
      %dma_wait3A_211 = arith.constant 0 : i32
      %dma_wait3A_212 = tpu.memref_slice %arg5[%rem3A_199, %dma_wait3A_210, %dma_wait3A_211] : memref<2x2048x1024xf32, #tpu.memory_space<vmem>> -> memref<1x160x1024xf32, #tpu.memory_space<vmem>>
      %dma_wait3A_213 = tpu.memref_squeeze %dma_wait3A_212 : memref<1x160x1024xf32, #tpu.memory_space<vmem>> -> memref<160x1024xf32, #tpu.memory_space<vmem>>
      tpu.wait_dma2 semaphore(%dma_wait3A_207 : memref<!tpu.dma_semaphore, #tpu.memory_space<semaphore_mem>>) src(%dma_wait3A_213 : memref<160x1024xf32, #tpu.memory_space<vmem>>) dst(%dma_wait3A_209 : memref<160x1024xf32, #tpu.memory_space<any>>)
    } else {
    }
    return
  }
  func.func @transform_0(%arg0: i32) -> (i32, i32) {
    %c0_i32 = arith.constant 0 : i32
    %c0_i32_0 = arith.constant 0 : i32
    return %c0_i32, %arg0 : i32, i32
  }
  func.func @transform_1(%arg0: i32) -> (i32, i32) {
    %c0_i32 = arith.constant 0 : i32
    %c0_i32_0 = arith.constant 0 : i32
    %c0_i32_1 = arith.constant 0 : i32
    return %c0_i32, %c0_i32_0 : i32, i32
  }
  func.func @transform_2(%arg0: i32) -> i32 {
    %c0_i32 = arith.constant 0 : i32
    return %arg0 : i32
  }
}

</mosaic_0001>

<sc_bundles>
// kernel: kernel.4.cloned.1.call-start
scs
__scs_entry_jumppad:
0x0: {  	(pc) =	sbr.rel $0x88, $3  }
0x1: {  	(tag) =	ssettag $0x0;
	lr =	simm.s32 $0x1  }
0x2: {  	[smem:$0x3F9D] =	sst lr;
	_ =	strace $0xD0000000  }
0x3: {  	_ = 	snop  }
0x4: {  	_ = 	snop  }
0x5: {  	_ = 	snop  }
0x6: {  	_ = 	snop  }
0x7: {  	_ = 	snop  }
__scs_overlays_trampoline_lowered:
0x8: {  	[smem:$0x3FAC] =	sst s0  }
0x9: {  	[smem:$0x3FAD] =	sst s1  }
0xa: {  	[smem:$0x3FAE] =	sst s2  }
0xb: {  	[smem:$0x3FAF] =	sst s3  }
0xc: {  	[smem:$0x3FB0] =	sst s4  }
0xd: {  	[smem:$0x3FB1] =	sst s5  }
0xe: {  	[smem:$0x3FB2] =	sst s6  }
0xf: {  	[smem:$0x3FB3] =	sst s7  }
0x10: {  	[smem:$0x3FB4] =	sst s8  }
0x11: {  	[smem:$0x3FB5] =	sst s9;
	s0 =	simm.s32 @!p0 $0x0  }
0x12: {  	s1 =	sld [smem:$0x3F9B];
	s0 =	simm.s32 @p0 $0x1  }
0x13: {  	[smem:$0x3FB6] =	sst s0;
	s0 =	simm.s32 @!p1 $0x0  }
0x14: {  	s2 =	sld [smem:$0x3F9A];
	s0 =	simm.s32 @p1 $0x1  }
0x15: {  	[smem:$0x3FB7] =	sst s0;
	s0 =	simm.s32 @!p2 $0x0  }
0x16: {  	s3 =	sld [smem:$0x3FDB];
	s0 =	simm.s32 @p2 $0x1  }
0x17: {  	s4 =	simm.s32 $0x1BF5;
	[smem:$0x3FB9] =	sst s0  }
0x18: {  	s0 =	sld [smem:$0x3F9C];
	_ =	swait.ge [sflag:s4], $0x0  }
0x19: {  	s7 =	sld [smem:$0x3F9D]  }
0x1a: {  	s8 =	sadd.s32 $0xFFFFE003, lr  }
0x1b: {  	s9 =	sadd.s32 $0xFFFFFEF7, lr;
	s5 =	simm.s32 $0xFFFFFFFF;
	p2 =	slt.u32 s8, $0xFFFFF086  }
0x1c: {  	p1 =	slt.u32 s9, $0xF7A;
	s5 =	simm.s32 @!p2 $0x0  }
0x1d: {  	s5 =	simm.s32 @p1 $0x1;
	p0 =	seq.s32 s7, s2  }
0x1e: {  	s7 =	smul.u32 @!p0 $0xF7A, s2;
	p2 =	seq.s32 @!p0 s5, $0x0  }
0x1f: {  	s9 =	smul.u32 $0xF7A, s1;
	s8 =	simm.s32 @!p0 $0x1BF5;
	p2 =	por !p2, p0  }
0x20: {  	[sflag:s8] =	ssyncset.s32 @!p0 $0xFFFFF086;
	s6 =	sadd.s32 @!p0 s3, s7;
	s7 =	simm.s32 @!p0 $0x108  }
0x21: {  	s3 =	sadd.s32 s3, s9;
	s6 =	sadd.s32 @!p0 $0x88, s6;
	s7 =	simm.s32 @p2 $0x1082  }
0x22: {  	[simem:s7], [sflag:s8] =	dma.local @!p0 [hbm:s6], $0xF7A  }
0x23: {  	s9 =	sor.u32 $0xD0000000, s2;
	s6 =	simm.s32 $0x108;
	_ =	swait.ge @!p0 [sflag:s8], $0x0  }
0x24: {  	s3 =	sadd.s32 $0x88, s3;
	s6 =	simm.s32 @!p1 $0x1082;
	[sflag:s4] =	ssyncset.s32 $0xFFFFF086  }
0x25: {  	[simem:s6], [sflag:s4] =	dma.local [hbm:s3], $0xF7A  }
0x26: {  	[smem:$0x3F9D] =	sst s1;
	(tag) =	ssettag s2;
	_ =	strace s9  }
0x27: {  	s1 =	sld [smem:$0x3FAD]  }
0x28: {  	s2 =	sld [smem:$0x3FAE]  }
0x29: {  	s4 =	sld [smem:$0x3FB0]  }
0x2a: {  	p0 =	seq.s32 s5, $0x0;
	s5 =	sld [smem:$0x3FB1]  }
0x2b: {  	s6 =	sld [smem:$0x3FB2]  }
0x2c: {  	s7 =	sld [smem:$0x3FB3]  }
0x2d: {  	s3 =	simm.s32 $0x108;
	s8 =	sld [smem:$0x3FB4]  }
0x2e: {  	s3 =	simm.s32 @!p0 $0x1082;
	s9 =	sld [smem:$0x3FB5]  }
0x2f: {  	lr =	sadd.s32 s0, s3;
	s0 =	sld [smem:$0x3FAC]  }
0x30: {  	s3 =	sld [smem:$0x3FAF]  }
0x31: {  	[smem:$0x3FB8] =	sst s10  }
0x32: {  	s10 =	sld [smem:$0x3FB6];
	_ =	sdelay $0x3  }
0x33: {  	p0 =	seq.s32 s10, $0x1;
	s10 =	sld [smem:$0x3FB8];
	_ =	sdelay $0x3  }
0x34: {  	[smem:$0x3FB8] =	sst s10  }
0x35: {  	s10 =	sld [smem:$0x3FB7];
	_ =	sdelay $0x3  }
0x36: {  	p1 =	seq.s32 s10, $0x1;
	s10 =	sld [smem:$0x3FB8];
	_ =	sdelay $0x3  }
0x37: {  	[smem:$0x3FB8] =	sst s10  }
0x38: {  	s10 =	sld [smem:$0x3FB9]  }
0x39: {  	_ = 	snop;
	(pc) =	sbr.ind lr, $3  }
0x3a: {  	_ = 	snop  }
0x3b: {  	_ = 	snop  }
0x3c: {  	p2 =	seq.s32 s10, $0x1;
	s10 =	sld [smem:$0x3FB8]  }
0x3d: {  	_ =	shalt  }
0x3e: {  	_ =	shalt  }
0x3f: {  	_ =	shalt  }
0x40: {  	_ =	shalt  }
0x41: {  	_ =	shalt  }
0x42: {  	_ =	shalt  }
0x43: {  	_ =	shalt  }
0x44: {  	_ =	shalt  }
0x45: {  	_ =	shalt  }
0x46: {  	_ =	shalt  }
0x47: {  	_ =	shalt  }
0x48: {  	_ =	shalt  }
0x49: {  	_ =	shalt  }
0x4a: {  	_ =	shalt  }
0x4b: {  	_ =	shalt  }
0x4c: {  	_ =	shalt  }
0x4d: {  	_ =	shalt  }
0x4e: {  	_ =	shalt  }
0x4f: {  	_ =	shalt  }
0x50: {  	_ =	shalt  }
0x51: {  	_ =	shalt  }
0x52: {  	_ =	shalt  }
0x53: {  	_ =	shalt  }
0x54: {  	_ =	shalt  }
0x55: {  	_ =	shalt  }
0x56: {  	_ =	shalt  }
0x57: {  	_ =	shalt  }
0x58: {  	_ =	shalt  }
0x59: {  	_ =	shalt  }
0x5a: {  	_ =	shalt  }
0x5b: {  	_ =	shalt  }
0x5c: {  	_ =	shalt  }
0x5d: {  	_ =	shalt  }
0x5e: {  	_ =	shalt  }
0x5f: {  	_ =	shalt  }
0x60: {  	_ =	shalt  }
0x61: {  	_ =	shalt  }
0x62: {  	_ =	shalt  }
0x63: {  	_ =	shalt  }
0x64: {  	_ =	shalt  }
0x65: {  	_ =	shalt  }
0x66: {  	_ =	shalt  }
0x67: {  	_ =	shalt  }
0x68: {  	_ =	shalt  }
0x69: {  	_ =	shalt  }
0x6a: {  	_ =	shalt  }
0x6b: {  	_ =	shalt  }
0x6c: {  	_ =	shalt  }
0x6d: {  	_ =	shalt  }
0x6e: {  	_ =	shalt  }
0x6f: {  	_ =	shalt  }
0x70: {  	_ =	shalt  }
0x71: {  	_ =	shalt  }
0x72: {  	_ =	shalt  }
0x73: {  	_ =	shalt  }
0x74: {  	_ =	shalt  }
0x75: {  	_ =	shalt  }
0x76: {  	_ =	shalt  }
0x77: {  	_ =	shalt  }
0x78: {  	_ =	shalt  }
0x79: {  	_ =	shalt  }
0x7a: {  	_ =	shalt  }
0x7b: {  	_ =	shalt  }
0x7c: {  	_ =	shalt  }
0x7d: {  	_ =	shalt  }
0x7e: {  	_ =	shalt  }
0x7f: {  	_ =	shalt  }
0x80: {  	_ =	shalt  }
0x81: {  	_ =	shalt  }
0x82: {  	_ =	shalt  }
0x83: {  	_ =	shalt  }
0x84: {  	_ =	shalt  }
0x85: {  	_ =	shalt  }
0x86: {  	_ =	shalt  }
0x87: {  	_ =	shalt  }
.Lfunc_end0:
.L_simem_size_0:
called_computation_lowered:
.L_overlay_start_0:
0x88: {  	s2 =	sld [smem:$0x3FD9]  }
0x89: {  	s3 =	sld [smem:$0x3FFE];
	_ =	sdelay $0x1  }
0x8a: {  	s1 =	srdreg.scid  }
0x8b: {  	s0 =	sand.u32 $0x1, s1  }
0x8c: {  	s17 =	sshll.u32 s0, $0xA;
	s2 =	sadd.s32 s3, s2  }
0x8d: {  	s2 =	sadd.s32 s2, s17  }
0x8e: {  	[smem:$0x3FC4] =	sst s2  }
0x8f: {  	_ = 	snop  }
0x90: {  	s2 =	sld [smem:$0x3FD0];
	(tm) =	ssettm $0x1  }
0x91: {  	s18 =	sld [smem:$0x3FFB];
	_ =	sdelay $0x3  }
0x92: {  	_ =	strace s18  }
0x93: {  	s3 =	sld [smem:$0x3FFC];
	_ =	sdelay $0x3  }
0x94: {  	_ =	strace s3  }
0x95: {  	s3 =	sld [smem:$0x3FFD];
	_ =	sdelay $0x3  }
0x96: {  	_ =	strace s3  }
0x97: {  	_ =	strace $0x8FFFFFFF  }
0x98: {  	s19 =	sld [smem:$0x3FDB];
	_ =	sdelay $0x1  }
0x99: {  	s4 =	simm.s32 $_scs_section_size  }
0x9a: {  	s5 =	simm.s32 $_size__tile_overlayer_lowered;
	s6 =	simm.s32 $_tile_overlayer_lowered  }
0x9b: {  	s22 =	simm.s32 $0x1BFF;
	s21 =	sshll.u32 s6, $0x1;
	s3 =	sadd.s32 s4, s19  }
0x9c: {  	s7 =	simm.s32 $0x0;
	s20 =	sshll.u32 s5, $0x1;
	s5 =	sadd.s32 s21, s3  }
0x9d: {  	[timem:s7], [sflag:s22] =	dma.local [hbm:s5], s20  }
0x9e: {  	_ =	swait.ge [sflag:s22], s20  }
0x9f: {  	s4 =	ssub.s32 $0x0, s20;
	[sflag:s22] =	ssyncset.done $0x0  }
0xa0: {  	[sflag:s22] =	ssyncadd.s32 s4;
	_ =	sdelay $0x1  }
0xa1: {  	s23 =	simm.s32 $0x1B8B  }
0xa2: {  	_ =	swait.ge [sflag:s23], $0x1  }
0xa3: {  	[sflag:s23] =	ssyncset.done $0x0  }
0xa4: {  	s25 =	simm.s32 $0x1B8E;
	s24 =	sld [smem:$0x3FFE];
	[sflag:s23] =	ssyncadd.s32 $0xFFFFFFFF  }
0xa5: {  	s26 =	simm.s32 $execute0_lowered;
	[smem:$0x3FD2] =	sst s25  }
0xa6: {  	s5 =	sshll.u32 s26, $0x1;
	_ =	strace $0x80000046;
	[dreg:$0x1] =	wrdreg $0xFFFFFFFF  }
0xa7: {  	s28 =	simm.s32 $_size_execute0_lowered;
	s3 =	sadd.s32 s3, s5;
	[dreg:$0x0] =	wrdreg $0x0  }
0xa8: {  	s5 =	sshll.u32 s28, $0x1;
	[dreg:$0x2] =	wrdreg s3  }
0xa9: {  	[dreg:$0x3] =	wrdreg s5  }
0xaa: {  	[dreg:$0x4] =	wrdreg $0xC0  }
0xab: {  	_ =	task [dreg:s7], $0x5FFFF  }
0xac: {  	[dreg:$0x1] =	wrdreg $0xFFFFFFFF  }
0xad: {  	[dreg:$0x0] =	wrdreg $0x60  }
0xae: {  	[dreg:$0x2] =	wrdreg s24  }
0xaf: {  	[dreg:$0x3] =	wrdreg s2  }
0xb0: {  	[dreg:$0x4] =	wrdreg $0x9  }
0xb1: {  	_ =	task.clear_ibuf [dreg:s7], $0x5FFFF;
	_ =	strace $0x90000046  }
0xb2: {  	s29 =	simm.s32 $0x9;
	_ =	strace $0x80000048  }
0xb3: {  	_ =	swait.ge [sflag:s29], $0x1  }
0xb4: {  	[sflag:s29] =	ssyncadd.s32 $0xFFFFFFFF  }
0xb5: {  	_ =	strace $0x90000048  }
0xb6: {  	_ =	sfence  }
0xb7: {  	s30 =	sld [smem:$0x0];
	_ =	sdelay $0x2  }
0xb8: {  	s31 =	sshll.u32 s1, $0xD;
	s1 =	sshrl.u32 s1, $0x2  }
0xb9: {  	s3 =	sand.u32 $0x4000, s31;
	s1 =	sadd.s32 s1, s30  }
0xba: {  	s0 =	sor.u32 s3, s0;
	s1 =	sshll.u32 s1, $0x11  }
0xbb: {  	s0 =	sor.u32 s1, s0  }
0xbc: {  	s0 =	sadd.s32 $0x8F2B, s0  }
0xbd: {  	[sflag:s0] =	ssyncadd.remote.s32 $0x1  }
0xbe: {  	_ =	sfence.sel $0xFFFF  }
0xbf: {  	[dreg:$0x0] =	wrdreg $0xFFFFFFFF;
	(pc) =	sbr.abs _section_cstart, $3  }
0xc0: {  	[dreg:$0x1] =	wrdreg $0xFFFFFFFF  }
0xc1: {  	_ =	task.clear_ibuf [dreg:s7], $0x2FFFF;
	_ =	strace $0x9FFFFFFF  }
0xc2: {  	(tm) =	ssettm $0x7FFFFFFF  }
0xc3: {  	_ =	shalt  }
tec
execute0_lowered:
.L_overlay_start_1:
0x0: {  	(tag) =	ssettag $0x1  }
0x1: {  	s4 =	rddreg [dreg:$0x0]  }
0x2: {  	s5 =	rddreg [dreg:$0x1]  }
0x3: {  	s0 =	rddreg [dreg:$0x2];
	s3 =	srdreg.scid  }
0x4: {  	s1 =	stileid.u32;
	s2 =	simm.s32 $0x0;
	s10 =	simm.s32 $0x6000  }
0x5: {  	s11 =	simm.s32 $0x2000;
	s12 =	simm.s32 $0x7000;
	s13 =	simm.s32 $0x3000  }
0x6: {  	s14 =	simm.s32 $0x8000;
	s15 =	simm.s32 $0x4000;
	s16 =	simm.s32 $0x9000  }
0x7: {  	s17 =	simm.s32 $0x1;
	s18 =	simm.s32 $0xA000;
	s19 =	simm.s32 $0x0  }
0x8: {  	s3 =	sand.u32 $0x1, s3;
	s6 =	sshll.u32 s1, $0x1;
	[smem:$0x7FF] =	sst s2  }
0x9: {  	s6 =	sor.u32 s3, s6;
	_ =	strace $0x80000047;
	s7 =	ssub.s32 $0x2, s3  }
0xa: {  	s8 =	smul.u32 $0x30D4, s6;
	s6 =	sshll.u32 s6, $0x7;
	s9 =	sshrl.u32 s7, $0x1  }
0xb: {  	s3 =	sadd.s32 $0x1600, s4;
	s6 =	sadd.s32 s6, s4;
	s7 =	ssub.s32 s7, s9  }
0xc: {  	s9 =	simm.s32 $0x5000;
	s4 =	sadd.s32 s5, s8;
	s5 =	sadd.s32 $0x2000, s6  }
0xd: {  	s6 =	smax.u32 s7, $0x1;
	s7 =	simm.s32 $0x2;
	s8 =	simm.s32 $0x1000  }
.LBB2_1:
0xe: {  	[tilespmem:s2], [sflag:$0x2] =	stream.linear.gather [hbm4b:s3+s2], $0x5000, $0x38;
	[tilespmem:$0xA400] =	vst v63  }
0xf: {  	_ =	swait.ge [sflag:s7], $0x5000  }
0x10: {  	[sflag:s7] =	ssyncset.done $0x0  }
0x11: {  	[sflag:s7] =	ssyncadd.s32 $0xFFFFB000  }
0x12: {  	[tilespmem:s9], [sflag:$0x1] =	stream.indirect.gather [hbm4b:s4+s8], $0x1, s2, s8, $0xb8;
	[tilespmem:$0xA400] =	vst v63  }
0x13: {  	_ = 	snop  }
0x14: {  	[tilespmem:s10], [sflag:$0x1] =	stream.indirect.gather [hbm4b:s4+s8], $0x1, s8, s8, $0xb8;
	[tilespmem:$0xA400] =	vst v63  }
0x15: {  	_ = 	snop  }
0x16: {  	[tilespmem:s12], [sflag:$0x1] =	stream.indirect.gather [hbm4b:s4+s8], $0x1, s11, s8, $0xb8;
	[tilespmem:$0xA400] =	vst v63  }
0x17: {  	_ = 	snop  }
0x18: {  	[tilespmem:s14], [sflag:$0x1] =	stream.indirect.gather [hbm4b:s4+s8], $0x1, s13, s8, $0xb8;
	[tilespmem:$0xA400] =	vst v63  }
0x19: {  	_ = 	snop  }
0x1a: {  	[tilespmem:s16], [sflag:$0x1] =	stream.indirect.gather [hbm4b:s4+s8], $0x1, s15, s8, $0xb8;
	[tilespmem:$0xA400] =	vst v63  }
0x1b: {  	_ =	swait.ge [sflag:s17], $0x1000  }
0x1c: {  	[sflag:s17] =	ssyncset.done $0x0  }
0x1d: {  	[sflag:s17] =	ssyncadd.s32 $0xFFFFF000  }
0x1e: {  	_ =	swait.ge [sflag:s17], $0x1000  }
0x1f: {  	[sflag:s17] =	ssyncset.done $0x0  }
0x20: {  	[sflag:s17] =	ssyncadd.s32 $0xFFFFF000  }
0x21: {  	_ =	swait.ge [sflag:s17], $0x1000  }
0x22: {  	[sflag:s17] =	ssyncset.done $0x0  }
0x23: {  	[sflag:s17] =	ssyncadd.s32 $0xFFFFF000  }
0x24: {  	_ =	swait.ge [sflag:s17], $0x1000  }
0x25: {  	[sflag:s17] =	ssyncset.done $0x0  }
0x26: {  	[sflag:s17] =	ssyncadd.s32 $0xFFFFF000  }
0x27: {  	_ =	swait.ge [sflag:s17], $0x1000  }
0x28: {  	[sflag:s17] =	ssyncset.done $0x0  }
0x29: {  	s21 =	simm.s32 $0x0;
	[sflag:s17] =	ssyncadd.s32 $0xFFFFF000  }
0x2a: {  	v0 =	vld [tilespmem:s21+$0x5000]  }
0x2b: {  	v1 =	vld [tilespmem:s21+$0x5400];
	_ =	sdelay $0x1  }
0x2c: {  	v2 =	vld [tilespmem:s21+$0x5800];
	_ =	sdelay $0x1  }
0x2d: {  	v3 =	vld [tilespmem:s21+$0x5C00]  }
0x2e: {  	v0 =	vadd.f32 v1, v0  }
0x2f: {  	v1 =	vld [tilespmem:s21+$0x6000]  }
0x30: {  	v0 =	vadd.f32 v2, v0  }
0x31: {  	v2 =	vld [tilespmem:s21+$0x6400]  }
0x32: {  	v0 =	vadd.f32 v3, v0  }
0x33: {  	v3 =	vld [tilespmem:s21+$0x6800]  }
0x34: {  	v0 =	vadd.f32 v1, v0  }
0x35: {  	v1 =	vld [tilespmem:s21+$0x6C00]  }
0x36: {  	v0 =	vadd.f32 v2, v0  }
0x37: {  	v2 =	vld [tilespmem:s21+$0x7000]  }
0x38: {  	v0 =	vadd.f32 v3, v0  }
0x39: {  	v3 =	vld [tilespmem:s21+$0x7400]  }
0x3a: {  	s20 =	simm.s32 $0x10;
	v4 =	vld [tilespmem:s21+$0x7800];
	v0 =	vadd.f32 v1, v0  }
0x3b: {  	v5 =	vld [tilespmem:s20+$0x5000]  }
0x3c: {  	v1 =	vld [tilespmem:s21+$0x7C00];
	v0 =	vadd.f32 v2, v0  }
0x3d: {  	v2 =	vld [tilespmem:s20+$0x5400]  }
0x3e: {  	v6 =	vld [tilespmem:s20+$0x5800];
	v0 =	vadd.f32 v3, v0  }
0x3f: {  	v3 =	vld [tilespmem:s21+$0x8000]  }
0x40: {  	v7 =	vld [tilespmem:s20+$0x5C00];
	v0 =	vadd.f32 v4, v0  }
0x41: {  	v4 =	vld [tilespmem:s21+$0x8400]  }
0x42: {  	v2 =	vadd.f32 v2, v5;
	v5 =	vld [tilespmem:s20+$0x6000];
	v0 =	vadd.f32 v1, v0  }
0x43: {  	v1 =	vld [tilespmem:s21+$0x8800]  }
0x44: {  	v2 =	vadd.f32 v6, v2;
	v6 =	vld [tilespmem:s20+$0x6400];
	v0 =	vadd.f32 v3, v0  }
0x45: {  	v3 =	vld [tilespmem:s21+$0x8C00]  }
0x46: {  	v2 =	vadd.f32 v7, v2;
	v7 =	vld [tilespmem:s20+$0x6800];
	v0 =	vadd.f32 v4, v0  }
0x47: {  	v4 =	vld [tilespmem:s21+$0x9000]  }
0x48: {  	v2 =	vadd.f32 v5, v2;
	v5 =	vld [tilespmem:s20+$0x6C00];
	v0 =	vadd.f32 v1, v0  }
0x49: {  	v1 =	vld [tilespmem:s21+$0x9400]  }
0x4a: {  	v8 =	vld [tilespmem:s20+$0x7000];
	v2 =	vadd.f32 v6, v2;
	v0 =	vadd.f32 v3, v0  }
0x4b: {  	v6 =	vld [tilespmem:s21+$0x9800]  }
0x4c: {  	v3 =	vld [tilespmem:s20+$0x7400];
	v7 =	vadd.f32 v7, v2;
	v4 =	vadd.f32 v4, v0  }
0x4d: {  	v2 =	vld [tilespmem:s21+$0x9C00]  }
0x4e: {  	v0 =	vld [tilespmem:s20+$0x7C00];
	v5 =	vadd.f32 v5, v7;
	v7 =	vadd.f32 v1, v4  }
0x4f: {  	s22 =	simm.s32 $0x20;
	v4 =	vld [tilespmem:s20+$0x7800]  }
0x50: {  	s23 =	simm.s32 $0xC0;
	v1 =	vld [tilespmem:s22+$0x5000];
	v5 =	vadd.f32 v8, v5;
	v6 =	vadd.f32 v6, v7  }
.LBB2_2:
0x51: {  	p0 =	sne.s32 s23, $0xFC0;
	v7 =	vld [tilespmem:s22+$0x5400]  }
0x52: {  	v3 =	vadd.f32 v3, v5;
	v5 =	vld [tilespmem:s20+$0x8000];
	v2 =	vadd.f32 v2, v6  }
0x53: {  	v6 =	vld [tilespmem:s22+$0x5800]  }
0x54: {  	v3 =	vadd.f32 v4, v3;
	v4 =	vld [tilespmem:s20+$0x8400];
	[tilespmem:s21+$0xA000] =	vst v2;
	s21 =	smov.u32 s20;
	s20 =	smov.u32 s22  }
0x55: {  	v2 =	vld [tilespmem:s20+$0x5C00]  }
0x56: {  	v1 =	vadd.f32 v7, v1;
	v0 =	vadd.f32 v0, v3;
	v3 =	vld [tilespmem:s21+$0x8800]  }
0x57: {  	v7 =	vld [tilespmem:s20+$0x6000]  }
0x58: {  	v1 =	vadd.f32 v6, v1;
	v0 =	vadd.f32 v5, v0;
	v5 =	vld [tilespmem:s21+$0x8C00]  }
0x59: {  	v6 =	vld [tilespmem:s20+$0x6400]  }
0x5a: {  	v1 =	vadd.f32 v2, v1;
	v0 =	vadd.f32 v4, v0;
	v2 =	vld [tilespmem:s21+$0x9000]  }
0x5b: {  	v4 =	vld [tilespmem:s20+$0x6800]  }
0x5c: {  	v1 =	vadd.f32 v7, v1;
	v0 =	vadd.f32 v3, v0;
	v7 =	vld [tilespmem:s21+$0x9400]  }
0x5d: {  	v8 =	vld [tilespmem:s20+$0x6C00]  }
0x5e: {  	v1 =	vadd.f32 v6, v1;
	v0 =	vadd.f32 v5, v0;
	v6 =	vld [tilespmem:s21+$0x9800]  }
0x5f: {  	v5 =	vld [tilespmem:s20+$0x7000]  }
.Ltmp0:
0x60: {  	v1 =	vadd.f32 v4, v1;
	v4 =	vadd.f32 v2, v0;
	v2 =	vld [tilespmem:s21+$0x9C00];
	(pc) =	sbr.rel @p0 .LBB2_2-.Ltmp0, $4  }
0x61: {  	v3 =	vld [tilespmem:s20+$0x7400]  }
0x62: {  	v8 =	vadd.f32 v8, v1;
	v0 =	vld [tilespmem:s20+$0x7C00];
	v7 =	vadd.f32 v7, v4  }
0x63: {  	s22 =	sshra.s32 s23, $0x2;
	v4 =	vld [tilespmem:s20+$0x7800]  }
0x64: {  	s23 =	sadd.s32 $0x40, s23;
	v1 =	vld [tilespmem:s22+$0x5000];
	v5 =	vadd.f32 v5, v8;
	v6 =	vadd.f32 v6, v7  }
0x65: {  	v7 =	vld [tilespmem:s22+$0x5400]  }
0x66: {  	v8 =	vld [tilespmem:s20+$0x8000];
	v2 =	vadd.f32 v2, v6  }
0x67: {  	v40 =	vld [tilespmem:s22+$0x5800]  }
0x68: {  	v9 =	vld [tilespmem:s20+$0x8400];
	v3 =	vadd.f32 v3, v5;
	[tilespmem:s21+$0xA000] =	vst v2  }
0x69: {  	v2 =	vld [tilespmem:s22+$0x5C00]  }
0x6a: {  	v3 =	vadd.f32 v4, v3;
	v1 =	vadd.f32 v7, v1  }
0x6b: {  	v41 =	vld [tilespmem:s22+$0x6000]  }
0x6c: {  	v42 =	vld [tilespmem:s20+$0x8800];
	v0 =	vadd.f32 v0, v3;
	v1 =	vadd.f32 v40, v1  }
0x6d: {  	v43 =	vld [tilespmem:s22+$0x6400]  }
0x6e: {  	v44 =	vld [tilespmem:s20+$0x8C00];
	v0 =	vadd.f32 v8, v0;
	v1 =	vadd.f32 v2, v1  }
0x6f: {  	v45 =	vld [tilespmem:s22+$0x6800]  }
0x70: {  	v46 =	vld [tilespmem:s20+$0x9000];
	v0 =	vadd.f32 v9, v0;
	v1 =	vadd.f32 v41, v1  }
0x71: {  	v47 =	vld [tilespmem:s22+$0x6C00]  }
0x72: {  	v48 =	vld [tilespmem:s20+$0x9400];
	v0 =	vadd.f32 v42, v0;
	v1 =	vadd.f32 v43, v1  }
0x73: {  	v49 =	vld [tilespmem:s22+$0x7000]  }
0x74: {  	v50 =	vld [tilespmem:s20+$0x9800];
	v0 =	vadd.f32 v44, v0;
	v1 =	vadd.f32 v45, v1  }
0x75: {  	v51 =	vld [tilespmem:s22+$0x7400]  }
0x76: {  	v52 =	vld [tilespmem:s20+$0x9C00];
	v0 =	vadd.f32 v46, v0;
	v1 =	vadd.f32 v47, v1  }
0x77: {  	v53 =	vld [tilespmem:s22+$0x7800]  }
0x78: {  	v0 =	vadd.f32 v48, v0;
	v1 =	vadd.f32 v49, v1  }
0x79: {  	v54 =	vld [tilespmem:s22+$0x7C00]  }
0x7a: {  	v0 =	vadd.f32 v50, v0;
	v1 =	vadd.f32 v51, v1  }
0x7b: {  	v55 =	vld [tilespmem:s22+$0x8000]  }
0x7c: {  	v0 =	vadd.f32 v52, v0;
	v1 =	vadd.f32 v53, v1  }
0x7d: {  	v56 =	vld [tilespmem:s22+$0x8400]  }
0x7e: {  	[tilespmem:s20+$0xA000] =	vst v0;
	v57 =	vadd.f32 v54, v1  }
0x7f: {  	v58 =	vld [tilespmem:s22+$0x8800]  }
0x80: {  	v0 =	vadd.f32 v55, v57  }
0x81: {  	v59 =	vld [tilespmem:s22+$0x8C00]  }
0x82: {  	v0 =	vadd.f32 v56, v0  }
0x83: {  	v60 =	vld [tilespmem:s22+$0x9000]  }
0x84: {  	v0 =	vadd.f32 v58, v0  }
0x85: {  	v61 =	vld [tilespmem:s22+$0x9400]  }
0x86: {  	v0 =	vadd.f32 v59, v0  }
0x87: {  	v62 =	vld [tilespmem:s22+$0x9800]  }
0x88: {  	v0 =	vadd.f32 v60, v0  }
0x89: {  	v63 =	vld [tilespmem:s22+$0x9C00]  }
0x8a: {  	v0 =	vadd.f32 v61, v0;
	_ =	sdelay $0x1  }
0x8b: {  	v0 =	vadd.f32 v62, v0;
	_ =	sdelay $0x1  }
0x8c: {  	s19 =	sadd.s32 $0x1, s19;
	v0 =	vadd.f32 v63, v0  }
0x8d: {  	p0 =	sne.s32 s19, s6  }
.Ltmp1:
0x8e: {  	[tilespmem:s22+$0xA000] =	vst v0;
	(pc) =	sbr.rel @p0 .LBB2_1-.Ltmp1, $4  }
0x8f: {  	[hbm4b:s5+s2] =	stream.linear.scatter [tilespmem:s18], [sflag:$0x2], $0x400, $0x38;
	[tilespmem:$0xA400] =	vst v63  }
0x90: {  	_ =	swait.ge [sflag:s7], $0x400  }
0x91: {  	[sflag:s7] =	ssyncset.done $0x0  }
0x92: {  	[sflag:s7] =	ssyncadd.s32 $0xFFFFFC00  }
0x93: {  	_ =	sfence.sel $0x180000  }
0x94: {  	[bflag:$0x0] =	sbarrier.arrive $0xFFFF  }
0x95: {  	p0 =	sne.s32 s1, $0x0;
	_ =	strace $0x90000047  }
0x96: {  	s0 =	sadd.s32 @!p0 $0x100000, s0;
	[bflag:$0x2] =	sbarrier.arrive $0xFFFF  }
0x97: {  	[sflag:s0] =	ssyncadd.tile.s32 @!p0 $0x1;
	_ =	shalt  }
.Lfunc_end2:
_tile_overlayer_lowered:
.L_overlay_start_2:
0x98: {  	(tag) =	ssettag $0x2  }
0x99: {  	s0 =	rddreg [dreg:$0x0];
	s2 =	stileid.u32  }
0x9a: {  	s1 =	rddreg [dreg:$0x1];
	p0 =	sne.s32 s2, $0x0  }
0x9b: {  	s3 =	rddreg [dreg:$0x2];
	[bflag:$0x3] =	sbarrier.arrive $0xFFFF;
	s2 =	simm.s32 @!p0 $0x1C02  }
0x9c: {  	[timem:s3], [sflag:s2] =	dma.local @!p0 [hbm:s0], s1  }
0x9d: {  	s0 =	simm.s32 @!p0 $0x2  }
0x9e: {  	_ =	swait.ge @!p0 [sflag:s0], s1  }
0x9f: {  	s1 =	ssub.s32 @!p0 $0x0, s1;
	[sflag:s0] =	ssyncset.done @!p0 $0x0  }
0xa0: {  	[sflag:s0] =	ssyncadd.s32 @!p0 s1  }
0xa1: {  	[bflag:$0x3] =	sbarrier.arrive $0xFFFF  }
0xa2: {  	_ =	shalt  }

</sc_bundles>
